<compile_context>
chip_gen: v7x
topology: tpu7x:2x2x1
jax: 0.10.2.dev20260603
libtpu: 0.0.44.dev20260713+nightly
codegen_flags: <defaults>
</compile_context>

<pallas_src>
import functools

import jax
import jax.numpy as jnp
from jax import lax
from jax.experimental import pallas as pl
from jax.experimental.pallas import tpu as pltpu
from jax.experimental.pallas import tpu_sc as plsc

NODES = 4096
NPTS = 16777216
H = 1.0 / (NODES - 1)

NW = 32
PER_W = NPTS // NW
CH = 16384
NCH = PER_W // CH


def _coef_body(v_ref, c0_ref, cpk_ref, c3_ref):
    v = v_ref[...]
    inv_h = float(NODES - 1)
    vn = jnp.roll(v, -1, axis=1)
    m = (vn - v) * inv_h
    i = lax.broadcasted_iota(jnp.int32, (1, NODES), 1)
    a = jnp.roll(m, 1, axis=1)
    b = jnp.roll(m, 2, axis=1)
    c = jnp.roll(m, -1, axis=1)
    m_i = jnp.where(i == NODES - 1, 2.0 * a - b, m)
    m_ip1 = jnp.where(i == NODES - 2, 2.0 * m - a,
                      jnp.where(i == NODES - 1, 3.0 * a - 2.0 * b, c))
    m_im1 = jnp.where(i == 0, 2.0 * m - c, a)
    m_im2 = jnp.where(i == 0, 3.0 * m - 2.0 * c,
                      jnp.where(i == 1, 2.0 * a - m, b))
    w1 = jnp.abs(m_ip1 - m_i)
    w2 = jnp.abs(m_im1 - m_im2)
    den = w1 + w2
    safe = den > 1e-9
    t = jnp.where(safe, (w1 * m_im1 + w2 * m_i) / jnp.where(safe, den, 1.0),
                  0.5 * (m_im1 + m_i))
    tn = jnp.roll(t, -1, axis=1)
    dlt = vn - v
    ht = H * t
    htn = H * tn
    c1 = ht
    c2 = 3.0 * dlt - 2.0 * ht - htn
    b1 = jax.lax.bitcast_convert_type(c1.astype(jnp.bfloat16), jnp.uint16).astype(jnp.uint32)
    b2 = jax.lax.bitcast_convert_type(c2.astype(jnp.bfloat16), jnp.uint16).astype(jnp.uint32)
    c0_ref[...] = v
    cpk_ref[...] = jax.lax.bitcast_convert_type(b1 | (b2 << 16), jnp.int32)
    c3_ref[...] = ht + htn - 2.0 * dlt


def _coef_tables(value):
    out = pl.pallas_call(
        _coef_body,
        out_shape=[
            jax.ShapeDtypeStruct((1, NODES), jnp.float32),
            jax.ShapeDtypeStruct((1, NODES), jnp.int32),
            jax.ShapeDtypeStruct((1, NODES), jnp.float32),
        ],
    )(value.reshape(1, NODES))
    return [o.reshape(NODES) for o in out]


NBUF = 2
UNROLL = 4
REP = 4


def _sc_body(x_hbm, c0_hbm, cpk_hbm, c3_hbm, out_hbm,
             c0, cpk, c3, xbuf, obuf, si0, si1, so0, so1):
    in_sems = (si0, si1)
    out_sems = (so0, so1)
    wid = lax.axis_index("s") * 2 + lax.axis_index("c")
    base = wid * PER_W
    pltpu.sync_copy(c0_hbm, c0)
    pltpu.sync_copy(cpk_hbm, cpk)
    pltpu.sync_copy(c3_hbm, c3)

    def in_desc(b, k):
        return pltpu.make_async_copy(
            x_hbm.at[pl.ds(base + k * CH, CH)], xbuf.at[b], in_sems[b])

    def out_desc(b, k):
        return pltpu.make_async_copy(
            obuf.at[b], out_hbm.at[pl.ds(base + k * CH, CH)], out_sems[b])

    def compute(b):
        lm = lax.iota(jnp.int32, 16) & (REP - 1)

        @plsc.parallel_loop(0, CH, step=16, unroll=UNROLL)
        def _(i):
            xv = xbuf[b, pl.ds(i, 16)]
            xs = xv * float(NODES - 1)
            ii = xs.astype(jnp.int32)
            s = xs - ii.astype(jnp.float32)
            iv = (ii << 2) | lm
            a0 = plsc.load_gather(c0, [iv])
            pk = plsc.load_gather(cpk, [iv])
            a3 = plsc.load_gather(c3, [iv])
            a1 = plsc.bitcast(pk << 16, jnp.float32)
            a2 = plsc.bitcast(pk & jnp.int32(-65536), jnp.float32)
            obuf[b, pl.ds(i, 16)] = a0 + s * (a1 + s * (a2 + s * a3))

    for b in range(NBUF):
        in_desc(b, b).start()

    grp = NCH // NBUF

    def group(g, _):
        for b in range(NBUF):
            k = g * NBUF + b
            in_desc(b, k).wait()

            @pl.when(g > 0)
            def _wo():
                out_desc(b, k - NBUF).wait()

            compute(b)
            out_desc(b, k).start()

            @pl.when(g < grp - 1)
            def _si():
                in_desc(b, k + NBUF).start()

        return _

    lax.fori_loop(0, grp, group, None)
    for b in range(NBUF):
        out_desc(b, NCH - NBUF + b).wait()


@functools.partial(jax.jit, static_argnames=())
def kernel(input, value):
    c0, cpk, c3 = _coef_tables(value)
    c0 = jnp.broadcast_to(c0[:, None], (NODES, REP)).reshape(NODES * REP)
    cpk = jnp.broadcast_to(cpk[:, None], (NODES, REP)).reshape(NODES * REP)
    c3 = jnp.broadcast_to(c3[:, None], (NODES, REP)).reshape(NODES * REP)
    mesh = plsc.VectorSubcoreMesh(core_axis_name="c", subcore_axis_name="s")
    run = functools.partial(
        pl.kernel,
        mesh=mesh,
        compiler_params=pltpu.CompilerParams(needs_layout_passes=False, use_tc_tiling_on_sc=False),
        out_type=jax.ShapeDtypeStruct((NPTS,), jnp.float32),
        scratch_types=[
            pltpu.VMEM((NODES * REP,), jnp.float32),
            pltpu.VMEM((NODES * REP,), jnp.int32),
            pltpu.VMEM((NODES * REP,), jnp.float32),
            pltpu.VMEM((NBUF, CH), jnp.float32),
            pltpu.VMEM((NBUF, CH), jnp.float32),
            pltpu.SemaphoreType.DMA,
            pltpu.SemaphoreType.DMA,
            pltpu.SemaphoreType.DMA,
            pltpu.SemaphoreType.DMA,
        ],
    )(_sc_body)
    return run(input, c0, cpk, c3)

# --- scband reference (transcript-rebuilt; emitter-appended) ---
"""Pipeline reference for scband-akima-55482387529902 (READ-ONLY COPY).

The authoritative reference and input builder live on the scoring server;
editing this copy changes nothing except your own understanding.
"""

import jax, jax.numpy as jnp
import numpy as np

NODES = 4096
DOMAIN = (0.0, 1.0)
N_POINTS = 16777216


def _akima(x, value, domain):
    d0, d1 = domain
    n = value.shape[0]
    h = (d1 - d0) / (n - 1)
    x = jnp.clip(x, d0, d1)
    # segment slopes
    m = (value[1:] - value[:-1]) / h
    # Akima boundary extension (two extra slopes on each side)
    mm1 = 2.0 * m[0] - m[1]
    mm2 = 2.0 * mm1 - m[0]
    mp1 = 2.0 * m[-1] - m[-2]
    mp2 = 2.0 * mp1 - m[-1]
    mext = jnp.concatenate([jnp.stack([mm2, mm1]), m, jnp.stack([mp1, mp2])])  # [n+3]
    m_im2 = mext[0:n]
    m_im1 = mext[1:n + 1]
    m_i = mext[2:n + 2]
    m_ip1 = mext[3:n + 3]
    w1 = jnp.abs(m_ip1 - m_i)
    w2 = jnp.abs(m_im1 - m_im2)
    denom = w1 + w2
    safe = denom > 1e-9
    t = jnp.where(safe, (w1 * m_im1 + w2 * m_i) / jnp.where(safe, denom, 1.0),
                  0.5 * (m_im1 + m_i))  # node tangents [n]
    # bucketize query points into intervals (uniform knots)
    idx = jnp.clip(jnp.floor((x - d0) / h).astype(jnp.int32), 0, n - 2)
    x0 = d0 + idx.astype(x.dtype) * h
    s = (x - x0) / h
    y0 = jnp.take(value, idx)
    y1 = jnp.take(value, idx + 1)
    t0 = jnp.take(t, idx)
    t1 = jnp.take(t, idx + 1)
    s2 = s * s
    s3 = s2 * s
    h00 = 2.0 * s3 - 3.0 * s2 + 1.0
    h10 = s3 - 2.0 * s2 + s
    h01 = -2.0 * s3 + 3.0 * s2
    h11 = s3 - s2
    return h00 * y0 + h10 * h * t0 + h01 * y1 + h11 * h * t1


def setup_inputs(seed: int = 0) -> dict:
    key = jax.random.key(seed)
    x = jax.random.uniform(key, (N_POINTS,), dtype=jnp.float32, minval=0.0, maxval=1.0)
    value = jnp.linspace(DOMAIN[0], DOMAIN[1], NODES, dtype=jnp.float32)
    return {"input": x, "value": value}


def reference(input, value):
    return _akima(input, value, DOMAIN)

if __name__ == "__main__":
    import jax
    _d = setup_inputs()
    print(jax.jit(kernel)(*tuple(_d.values())))

</pallas_src>

<mosaic_0001>
#map = affine_map<(d0, d1) -> (0)>
module attributes {stable_mosaic.version = 14 : i64} {
  func.func @_sc_body(%arg0: i32, %arg1: i32, %arg2: memref<16777216xf32, #tpu.memory_space<hbm>>, %arg3: memref<16384xf32, #tpu.memory_space<hbm>>, %arg4: memref<16384xi32, #tpu.memory_space<hbm>>, %arg5: memref<16384xf32, #tpu.memory_space<hbm>>, %arg6: memref<16777216xf32, #tpu.memory_space<hbm>>, %arg7: memref<16384xf32, #tpu.memory_space<vmem>>, %arg8: memref<16384xi32, #tpu.memory_space<vmem>>, %arg9: memref<16384xf32, #tpu.memory_space<vmem>>, %arg10: memref<2x16384xf32, #tpu.memory_space<vmem>>, %arg11: memref<2x16384xf32, #tpu.memory_space<vmem>>, %arg12: memref<!tpu.dma_semaphore, #tpu.memory_space<semaphore_mem>>, %arg13: memref<!tpu.dma_semaphore, #tpu.memory_space<semaphore_mem>>, %arg14: memref<!tpu.dma_semaphore, #tpu.memory_space<semaphore_mem>>, %arg15: memref<!tpu.dma_semaphore, #tpu.memory_space<semaphore_mem>>) attributes {dimension_semantics = [#tpu.dimension_semantics<core_parallel>, #tpu.dimension_semantics<subcore_parallel>], iteration_bounds = array<i64: 2, 16>, scalar_prefetch = 0 : i64, scratch_operands = 9 : i64, tpu.core_type = #tpu.core_type<sc_vector_subcore>, window_params = [{transform_indices = #map}, {transform_indices = #map}, {transform_indices = #map}, {transform_indices = #map}, {transform_indices = #map}]} {
    %mul3A = arith.constant 2 : i32
    %mul3A_0 = arith.muli %arg1, %mul3A : i32
    %add3A = arith.addi %mul3A_0, %arg0 : i32
    %mul3A_1 = arith.constant 524288 : i32
    %mul3A_2 = arith.muli %add3A, %mul3A_1 : i32
    "tpu.region"() ({
      %run_scoped3A = tpu.sem_alloc : memref<!tpu.dma_semaphore, #tpu.memory_space<semaphore_mem>>
      tpu.enqueue_dma source(%arg3 : memref<16384xf32, #tpu.memory_space<hbm>>) target(%arg7 : memref<16384xf32, #tpu.memory_space<vmem>>) target_semaphore(%run_scoped3A : memref<!tpu.dma_semaphore, #tpu.memory_space<semaphore_mem>>)
      tpu.wait_dma2 semaphore(%run_scoped3A : memref<!tpu.dma_semaphore, #tpu.memory_space<semaphore_mem>>) src(%arg3 : memref<16384xf32, #tpu.memory_space<hbm>>) dst(%arg7 : memref<16384xf32, #tpu.memory_space<vmem>>)
      tpu.yield
    }) : () -> ()
    "tpu.region"() ({
      %run_scoped3A = tpu.sem_alloc : memref<!tpu.dma_semaphore, #tpu.memory_space<semaphore_mem>>
      tpu.enqueue_dma source(%arg4 : memref<16384xi32, #tpu.memory_space<hbm>>) target(%arg8 : memref<16384xi32, #tpu.memory_space<vmem>>) target_semaphore(%run_scoped3A : memref<!tpu.dma_semaphore, #tpu.memory_space<semaphore_mem>>)
      tpu.wait_dma2 semaphore(%run_scoped3A : memref<!tpu.dma_semaphore, #tpu.memory_space<semaphore_mem>>) src(%arg4 : memref<16384xi32, #tpu.memory_space<hbm>>) dst(%arg8 : memref<16384xi32, #tpu.memory_space<vmem>>)
      tpu.yield
    }) : () -> ()
    "tpu.region"() ({
      %run_scoped3A = tpu.sem_alloc : memref<!tpu.dma_semaphore, #tpu.memory_space<semaphore_mem>>
      tpu.enqueue_dma source(%arg5 : memref<16384xf32, #tpu.memory_space<hbm>>) target(%arg9 : memref<16384xf32, #tpu.memory_space<vmem>>) target_semaphore(%run_scoped3A : memref<!tpu.dma_semaphore, #tpu.memory_space<semaphore_mem>>)
      tpu.wait_dma2 semaphore(%run_scoped3A : memref<!tpu.dma_semaphore, #tpu.memory_space<semaphore_mem>>) src(%arg5 : memref<16384xf32, #tpu.memory_space<hbm>>) dst(%arg9 : memref<16384xf32, #tpu.memory_space<vmem>>)
      tpu.yield
    }) : () -> ()
    %add3A_3 = arith.constant 0 : i32
    %add3A_4 = arith.addi %mul3A_2, %add3A_3 : i32
    %dma_start3A = arith.constant 0 : i32
    %dma_start3A_5 = arith.constant 0 : i32
    %dma_start3A_6 = tpu.memref_slice %arg10[%dma_start3A, %dma_start3A_5] : memref<2x16384xf32, #tpu.memory_space<vmem>> -> memref<1x16384xf32, #tpu.memory_space<vmem>>
    %dma_start3A_7 = tpu.memref_squeeze %dma_start3A_6 : memref<1x16384xf32, #tpu.memory_space<vmem>> -> memref<16384xf32, #tpu.memory_space<vmem>>
    %dma_start3A_8 = tpu.memref_slice %arg2[%add3A_4] : memref<16777216xf32, #tpu.memory_space<hbm>> -> memref<16384xf32, #tpu.memory_space<hbm>>
    %dma_start3A_9 = arith.constant 0 : i32
    %dma_start3A_10 = tpu.memref_slice %arg10[%dma_start3A, %dma_start3A_9] : memref<2x16384xf32, #tpu.memory_space<vmem>> -> memref<1x16384xf32, #tpu.memory_space<vmem>>
    %dma_start3A_11 = tpu.memref_squeeze %dma_start3A_10 : memref<1x16384xf32, #tpu.memory_space<vmem>> -> memref<16384xf32, #tpu.memory_space<vmem>>
    %dma_start3A_12 = tpu.memref_slice %arg2[%add3A_4] : memref<16777216xf32, #tpu.memory_space<hbm>> -> memref<16384xf32, #tpu.memory_space<hbm>>
    tpu.enqueue_dma source(%dma_start3A_12 : memref<16384xf32, #tpu.memory_space<hbm>>) target(%dma_start3A_11 : memref<16384xf32, #tpu.memory_space<vmem>>) target_semaphore(%arg12 : memref<!tpu.dma_semaphore, #tpu.memory_space<semaphore_mem>>)
    %add3A_13 = arith.constant 16384 : i32
    %add3A_14 = arith.addi %mul3A_2, %add3A_13 : i32
    %dma_start3A_15 = arith.constant 1 : i32
    %dma_start3A_16 = arith.constant 0 : i32
    %dma_start3A_17 = tpu.memref_slice %arg10[%dma_start3A_15, %dma_start3A_16] : memref<2x16384xf32, #tpu.memory_space<vmem>> -> memref<1x16384xf32, #tpu.memory_space<vmem>>
    %dma_start3A_18 = tpu.memref_squeeze %dma_start3A_17 : memref<1x16384xf32, #tpu.memory_space<vmem>> -> memref<16384xf32, #tpu.memory_space<vmem>>
    %dma_start3A_19 = tpu.memref_slice %arg2[%add3A_14] : memref<16777216xf32, #tpu.memory_space<hbm>> -> memref<16384xf32, #tpu.memory_space<hbm>>
    %dma_start3A_20 = arith.constant 0 : i32
    %dma_start3A_21 = tpu.memref_slice %arg10[%dma_start3A_15, %dma_start3A_20] : memref<2x16384xf32, #tpu.memory_space<vmem>> -> memref<1x16384xf32, #tpu.memory_space<vmem>>
    %dma_start3A_22 = tpu.memref_squeeze %dma_start3A_21 : memref<1x16384xf32, #tpu.memory_space<vmem>> -> memref<16384xf32, #tpu.memory_space<vmem>>
    %dma_start3A_23 = tpu.memref_slice %arg2[%add3A_14] : memref<16777216xf32, #tpu.memory_space<hbm>> -> memref<16384xf32, #tpu.memory_space<hbm>>
    tpu.enqueue_dma source(%dma_start3A_23 : memref<16384xf32, #tpu.memory_space<hbm>>) target(%dma_start3A_22 : memref<16384xf32, #tpu.memory_space<vmem>>) target_semaphore(%arg13 : memref<!tpu.dma_semaphore, #tpu.memory_space<semaphore_mem>>)
    %scan3A = arith.constant 0 : i32
    %scan3A_24 = arith.constant 16 : i32
    %scan3A_25 = arith.addi %scan3A, %scan3A_24 : i32
    %scan3A_26 = arith.constant 1 : i32
    scf.for %scan3A_49 = %scan3A to %scan3A_25 step %scan3A_26  : i32 {
      %mul3A_50 = arith.constant 2 : i32
      %mul3A_51 = arith.muli %scan3A_49, %mul3A_50 : i32
      %add3A_52 = arith.constant 0 : i32
      %add3A_53 = arith.addi %mul3A_51, %add3A_52 : i32
      %mul3A_54 = arith.constant 16384 : i32
      %mul3A_55 = arith.muli %add3A_53, %mul3A_54 : i32
      %add3A_56 = arith.addi %mul3A_2, %mul3A_55 : i32
      %dma_wait3A_57 = arith.constant 0 : i32
      %dma_wait3A_58 = arith.constant 0 : i32
      %dma_wait3A_59 = tpu.memref_slice %arg10[%dma_wait3A_57, %dma_wait3A_58] : memref<2x16384xf32, #tpu.memory_space<vmem>> -> memref<1x16384xf32, #tpu.memory_space<vmem>>
      %dma_wait3A_60 = tpu.memref_squeeze %dma_wait3A_59 : memref<1x16384xf32, #tpu.memory_space<vmem>> -> memref<16384xf32, #tpu.memory_space<vmem>>
      %dma_wait3A_61 = tpu.memref_slice %arg2[%add3A_56] : memref<16777216xf32, #tpu.memory_space<hbm>> -> memref<16384xf32, #tpu.memory_space<hbm>>
      %dma_wait3A_62 = arith.constant 0 : i32
      %dma_wait3A_63 = tpu.memref_slice %arg10[%dma_wait3A_57, %dma_wait3A_62] : memref<2x16384xf32, #tpu.memory_space<vmem>> -> memref<1x16384xf32, #tpu.memory_space<vmem>>
      %dma_wait3A_64 = tpu.memref_squeeze %dma_wait3A_63 : memref<1x16384xf32, #tpu.memory_space<vmem>> -> memref<16384xf32, #tpu.memory_space<vmem>>
      %dma_wait3A_65 = tpu.memref_slice %arg2[%add3A_56] : memref<16777216xf32, #tpu.memory_space<hbm>> -> memref<16384xf32, #tpu.memory_space<hbm>>
      tpu.wait_dma2 semaphore(%arg12 : memref<!tpu.dma_semaphore, #tpu.memory_space<semaphore_mem>>) src(%dma_wait3A_65 : memref<16384xf32, #tpu.memory_space<hbm>>) dst(%dma_wait3A_64 : memref<16384xf32, #tpu.memory_space<vmem>>)
      %gt3A = arith.constant 0 : i32
      %gt3A_66 = arith.cmpi sgt, %scan3A_49, %gt3A : i32
      %convert_element_type3A = arith.extui %gt3A_66 : i1 to i32
      %cond3A = arith.constant 0 : i32
      %cond3A_67 = arith.cmpi ne, %convert_element_type3A, %cond3A : i32
      scf.if %cond3A_67 {
        %sub3A = arith.constant 2 : i32
        %sub3A_133 = arith.subi %add3A_53, %sub3A : i32
        %mul3A_134 = arith.constant 16384 : i32
        %mul3A_135 = arith.muli %sub3A_133, %mul3A_134 : i32
        %add3A_136 = arith.addi %mul3A_2, %mul3A_135 : i32
        %dma_wait3A_137 = arith.constant 0 : i32
        %dma_wait3A_138 = arith.constant 0 : i32
        %dma_wait3A_139 = tpu.memref_slice %arg11[%dma_wait3A_137, %dma_wait3A_138] : memref<2x16384xf32, #tpu.memory_space<vmem>> -> memref<1x16384xf32, #tpu.memory_space<vmem>>
        %dma_wait3A_140 = tpu.memref_squeeze %dma_wait3A_139 : memref<1x16384xf32, #tpu.memory_space<vmem>> -> memref<16384xf32, #tpu.memory_space<vmem>>
        %dma_wait3A_141 = tpu.memref_slice %arg6[%add3A_136] : memref<16777216xf32, #tpu.memory_space<hbm>> -> memref<16384xf32, #tpu.memory_space<hbm>>
        %dma_wait3A_142 = tpu.memref_slice %arg6[%add3A_136] : memref<16777216xf32, #tpu.memory_space<hbm>> -> memref<16384xf32, #tpu.memory_space<hbm>>
        %dma_wait3A_143 = arith.constant 0 : i32
        %dma_wait3A_144 = tpu.memref_slice %arg11[%dma_wait3A_137, %dma_wait3A_143] : memref<2x16384xf32, #tpu.memory_space<vmem>> -> memref<1x16384xf32, #tpu.memory_space<vmem>>
        %dma_wait3A_145 = tpu.memref_squeeze %dma_wait3A_144 : memref<1x16384xf32, #tpu.memory_space<vmem>> -> memref<16384xf32, #tpu.memory_space<vmem>>
        tpu.wait_dma2 semaphore(%arg14 : memref<!tpu.dma_semaphore, #tpu.memory_space<semaphore_mem>>) src(%dma_wait3A_145 : memref<16384xf32, #tpu.memory_space<vmem>>) dst(%dma_wait3A_142 : memref<16384xf32, #tpu.memory_space<hbm>>)
      } else {
      }
      %iota3A = tpu.iota {dimensions = array<i32: 0>} : vector<16xi32>
      %and3A = arith.constant 3 : i32
      %and3A_68 = vector.broadcast %and3A : i32 to vector<16xi32>
      %and3A_69 = arith.andi %iota3A, %and3A_68 : vector<16xi32>
      %parallel_loop3A = arith.constant 0 : i32
      %parallel_loop3A_70 = arith.constant 16384 : i32
      %parallel_loop3A_71 = arith.constant 16 : i32
      scf.for %parallel_loop3A_133 = %parallel_loop3A to %parallel_loop3A_70 step %parallel_loop3A_71  : i32 {
        %parallel_loop3A_134 = arith.constant 0 : i32
        %parallel_loop3A_135 = arith.index_cast %parallel_loop3A_134 : i32 to index
        %parallel_loop3A_136 = arith.index_cast %parallel_loop3A_133 : i32 to index
        %parallel_loop3A_137 = tpu.vector_load %arg10[%parallel_loop3A_135, %parallel_loop3A_136] {strides = array<i32>} : memref<2x16384xf32, #tpu.memory_space<vmem>>, vector<16xf32>,
        %parallel_loop3A_138 = arith.constant 4.095000e+03 : f32
        %parallel_loop3A_139 = vector.broadcast %parallel_loop3A_138 : f32 to vector<16xf32>
        %parallel_loop3A_140 = arith.mulf %parallel_loop3A_137, %parallel_loop3A_139 : vector<16xf32>
        %parallel_loop3A_141 = arith.fptosi %parallel_loop3A_140 : vector<16xf32> to vector<16xi32>
        %parallel_loop3A_142 = arith.sitofp %parallel_loop3A_141 : vector<16xi32> to vector<16xf32>
        %parallel_loop3A_143 = arith.subf %parallel_loop3A_140, %parallel_loop3A_142 : vector<16xf32>
        %parallel_loop3A_144 = arith.constant 2 : i32
        %parallel_loop3A_145 = vector.broadcast %parallel_loop3A_144 : i32 to vector<16xi32>
        %parallel_loop3A_146 = arith.shli %parallel_loop3A_141, %parallel_loop3A_145 : vector<16xi32>
        %parallel_loop3A_147 = arith.ori %parallel_loop3A_146, %and3A_69 : vector<16xi32>
        %parallel_loop3A_148 = tpu.vector_load_idx %arg7[%parallel_loop3A_147] : memref<16384xf32, #tpu.memory_space<vmem>>[vector<16xi32>], vector<16xf32>,
        %parallel_loop3A_149 = tpu.vector_load_idx %arg8[%parallel_loop3A_147] : memref<16384xi32, #tpu.memory_space<vmem>>[vector<16xi32>], vector<16xi32>,
        %parallel_loop3A_150 = tpu.vector_load_idx %arg9[%parallel_loop3A_147] : memref<16384xf32, #tpu.memory_space<vmem>>[vector<16xi32>], vector<16xf32>,
        %parallel_loop3A_151 = arith.constant 16 : i32
        %parallel_loop3A_152 = vector.broadcast %parallel_loop3A_151 : i32 to vector<16xi32>
        %parallel_loop3A_153 = arith.shli %parallel_loop3A_149, %parallel_loop3A_152 : vector<16xi32>
        %parallel_loop3A_154 = vector.bitcast %parallel_loop3A_153 : vector<16xi32> to vector<16xf32>
        %parallel_loop3A_155 = arith.constant -65536 : i32
        %parallel_loop3A_156 = vector.broadcast %parallel_loop3A_155 : i32 to vector<16xi32>
        %parallel_loop3A_157 = arith.andi %parallel_loop3A_149, %parallel_loop3A_156 : vector<16xi32>
        %parallel_loop3A_158 = vector.bitcast %parallel_loop3A_157 : vector<16xi32> to vector<16xf32>
        %parallel_loop3A_159 = arith.mulf %parallel_loop3A_143, %parallel_loop3A_150 : vector<16xf32>
        %parallel_loop3A_160 = arith.addf %parallel_loop3A_158, %parallel_loop3A_159 : vector<16xf32>
        %parallel_loop3A_161 = arith.mulf %parallel_loop3A_143, %parallel_loop3A_160 : vector<16xf32>
        %parallel_loop3A_162 = arith.addf %parallel_loop3A_154, %parallel_loop3A_161 : vector<16xf32>
        %parallel_loop3A_163 = arith.mulf %parallel_loop3A_143, %parallel_loop3A_162 : vector<16xf32>
        %parallel_loop3A_164 = arith.addf %parallel_loop3A_148, %parallel_loop3A_163 : vector<16xf32>
        %parallel_loop3A_165 = arith.constant 0 : i32
        %parallel_loop3A_166 = arith.index_cast %parallel_loop3A_165 : i32 to index
        %parallel_loop3A_167 = arith.index_cast %parallel_loop3A_133 : i32 to index
        %parallel_loop3A_168 = tpu.vector_load %arg11[%parallel_loop3A_166, %parallel_loop3A_167] {strides = array<i32>} : memref<2x16384xf32, #tpu.memory_space<vmem>>, vector<16xf32>,
        tpu.vector_store %arg11[%parallel_loop3A_166, %parallel_loop3A_167], %parallel_loop3A_164 {strides = array<i32>} : memref<2x16384xf32, #tpu.memory_space<vmem>>, vector<16xf32>,
      } {sc.loop_unroll_factor = 4 : i64, sc.parallel_access}
      %mul3A_72 = arith.constant 16384 : i32
      %mul3A_73 = arith.muli %add3A_53, %mul3A_72 : i32
      %add3A_74 = arith.addi %mul3A_2, %mul3A_73 : i32
      %dma_start3A_75 = arith.constant 0 : i32
      %dma_start3A_76 = arith.constant 0 : i32
      %dma_start3A_77 = tpu.memref_slice %arg11[%dma_start3A_75, %dma_start3A_76] : memref<2x16384xf32, #tpu.memory_space<vmem>> -> memref<1x16384xf32, #tpu.memory_space<vmem>>
      %dma_start3A_78 = tpu.memref_squeeze %dma_start3A_77 : memref<1x16384xf32, #tpu.memory_space<vmem>> -> memref<16384xf32, #tpu.memory_space<vmem>>
      %dma_start3A_79 = tpu.memref_slice %arg6[%add3A_74] : memref<16777216xf32, #tpu.memory_space<hbm>> -> memref<16384xf32, #tpu.memory_space<hbm>>
      %dma_start3A_80 = tpu.memref_slice %arg6[%add3A_74] : memref<16777216xf32, #tpu.memory_space<hbm>> -> memref<16384xf32, #tpu.memory_space<hbm>>
      %dma_start3A_81 = arith.constant 0 : i32
      %dma_start3A_82 = tpu.memref_slice %arg11[%dma_start3A_75, %dma_start3A_81] : memref<2x16384xf32, #tpu.memory_space<vmem>> -> memref<1x16384xf32, #tpu.memory_space<vmem>>
      %dma_start3A_83 = tpu.memref_squeeze %dma_start3A_82 : memref<1x16384xf32, #tpu.memory_space<vmem>> -> memref<16384xf32, #tpu.memory_space<vmem>>
      tpu.enqueue_dma source(%dma_start3A_83 : memref<16384xf32, #tpu.memory_space<vmem>>) target(%dma_start3A_80 : memref<16384xf32, #tpu.memory_space<hbm>>) target_semaphore(%arg14 : memref<!tpu.dma_semaphore, #tpu.memory_space<semaphore_mem>>)
      %lt3A = arith.constant 15 : i32
      %lt3A_84 = arith.cmpi slt, %scan3A_49, %lt3A : i32
      %convert_element_type3A_85 = arith.extui %lt3A_84 : i1 to i32
      %cond3A_86 = arith.constant 0 : i32
      %cond3A_87 = arith.cmpi ne, %convert_element_type3A_85, %cond3A_86 : i32
      scf.if %cond3A_87 {
        %add3A_133 = arith.constant 2 : i32
        %add3A_134 = arith.addi %add3A_53, %add3A_133 : i32
        %mul3A_135 = arith.constant 16384 : i32
        %mul3A_136 = arith.muli %add3A_134, %mul3A_135 : i32
        %add3A_137 = arith.addi %mul3A_2, %mul3A_136 : i32
        %dma_start3A_138 = arith.constant 0 : i32
        %dma_start3A_139 = arith.constant 0 : i32
        %dma_start3A_140 = tpu.memref_slice %arg10[%dma_start3A_138, %dma_start3A_139] : memref<2x16384xf32, #tpu.memory_space<vmem>> -> memref<1x16384xf32, #tpu.memory_space<vmem>>
        %dma_start3A_141 = tpu.memref_squeeze %dma_start3A_140 : memref<1x16384xf32, #tpu.memory_space<vmem>> -> memref<16384xf32, #tpu.memory_space<vmem>>
        %dma_start3A_142 = tpu.memref_slice %arg2[%add3A_137] : memref<16777216xf32, #tpu.memory_space<hbm>> -> memref<16384xf32, #tpu.memory_space<hbm>>
        %dma_start3A_143 = arith.constant 0 : i32
        %dma_start3A_144 = tpu.memref_slice %arg10[%dma_start3A_138, %dma_start3A_143] : memref<2x16384xf32, #tpu.memory_space<vmem>> -> memref<1x16384xf32, #tpu.memory_space<vmem>>
        %dma_start3A_145 = tpu.memref_squeeze %dma_start3A_144 : memref<1x16384xf32, #tpu.memory_space<vmem>> -> memref<16384xf32, #tpu.memory_space<vmem>>
        %dma_start3A_146 = tpu.memref_slice %arg2[%add3A_137] : memref<16777216xf32, #tpu.memory_space<hbm>> -> memref<16384xf32, #tpu.memory_space<hbm>>
        tpu.enqueue_dma source(%dma_start3A_146 : memref<16384xf32, #tpu.memory_space<hbm>>) target(%dma_start3A_145 : memref<16384xf32, #tpu.memory_space<vmem>>) target_semaphore(%arg12 : memref<!tpu.dma_semaphore, #tpu.memory_space<semaphore_mem>>)
      } else {
      }
      %mul3A_88 = arith.constant 2 : i32
      %mul3A_89 = arith.muli %scan3A_49, %mul3A_88 : i32
      %add3A_90 = arith.constant 1 : i32
      %add3A_91 = arith.addi %mul3A_89, %add3A_90 : i32
      %mul3A_92 = arith.constant 16384 : i32
      %mul3A_93 = arith.muli %add3A_91, %mul3A_92 : i32
      %add3A_94 = arith.addi %mul3A_2, %mul3A_93 : i32
      %dma_wait3A_95 = arith.constant 1 : i32
      %dma_wait3A_96 = arith.constant 0 : i32
      %dma_wait3A_97 = tpu.memref_slice %arg10[%dma_wait3A_95, %dma_wait3A_96] : memref<2x16384xf32, #tpu.memory_space<vmem>> -> memref<1x16384xf32, #tpu.memory_space<vmem>>
      %dma_wait3A_98 = tpu.memref_squeeze %dma_wait3A_97 : memref<1x16384xf32, #tpu.memory_space<vmem>> -> memref<16384xf32, #tpu.memory_space<vmem>>
      %dma_wait3A_99 = tpu.memref_slice %arg2[%add3A_94] : memref<16777216xf32, #tpu.memory_space<hbm>> -> memref<16384xf32, #tpu.memory_space<hbm>>
      %dma_wait3A_100 = arith.constant 0 : i32
      %dma_wait3A_101 = tpu.memref_slice %arg10[%dma_wait3A_95, %dma_wait3A_100] : memref<2x16384xf32, #tpu.memory_space<vmem>> -> memref<1x16384xf32, #tpu.memory_space<vmem>>
      %dma_wait3A_102 = tpu.memref_squeeze %dma_wait3A_101 : memref<1x16384xf32, #tpu.memory_space<vmem>> -> memref<16384xf32, #tpu.memory_space<vmem>>
      %dma_wait3A_103 = tpu.memref_slice %arg2[%add3A_94] : memref<16777216xf32, #tpu.memory_space<hbm>> -> memref<16384xf32, #tpu.memory_space<hbm>>
      tpu.wait_dma2 semaphore(%arg13 : memref<!tpu.dma_semaphore, #tpu.memory_space<semaphore_mem>>) src(%dma_wait3A_103 : memref<16384xf32, #tpu.memory_space<hbm>>) dst(%dma_wait3A_102 : memref<16384xf32, #tpu.memory_space<vmem>>)
      %gt3A_104 = arith.constant 0 : i32
      %gt3A_105 = arith.cmpi sgt, %scan3A_49, %gt3A_104 : i32
      %convert_element_type3A_106 = arith.extui %gt3A_105 : i1 to i32
      %cond3A_107 = arith.constant 0 : i32
      %cond3A_108 = arith.cmpi ne, %convert_element_type3A_106, %cond3A_107 : i32
      scf.if %cond3A_108 {
        %sub3A = arith.constant 2 : i32
        %sub3A_133 = arith.subi %add3A_91, %sub3A : i32
        %mul3A_134 = arith.constant 16384 : i32
        %mul3A_135 = arith.muli %sub3A_133, %mul3A_134 : i32
        %add3A_136 = arith.addi %mul3A_2, %mul3A_135 : i32
        %dma_wait3A_137 = arith.constant 1 : i32
        %dma_wait3A_138 = arith.constant 0 : i32
        %dma_wait3A_139 = tpu.memref_slice %arg11[%dma_wait3A_137, %dma_wait3A_138] : memref<2x16384xf32, #tpu.memory_space<vmem>> -> memref<1x16384xf32, #tpu.memory_space<vmem>>
        %dma_wait3A_140 = tpu.memref_squeeze %dma_wait3A_139 : memref<1x16384xf32, #tpu.memory_space<vmem>> -> memref<16384xf32, #tpu.memory_space<vmem>>
        %dma_wait3A_141 = tpu.memref_slice %arg6[%add3A_136] : memref<16777216xf32, #tpu.memory_space<hbm>> -> memref<16384xf32, #tpu.memory_space<hbm>>
        %dma_wait3A_142 = tpu.memref_slice %arg6[%add3A_136] : memref<16777216xf32, #tpu.memory_space<hbm>> -> memref<16384xf32, #tpu.memory_space<hbm>>
        %dma_wait3A_143 = arith.constant 0 : i32
        %dma_wait3A_144 = tpu.memref_slice %arg11[%dma_wait3A_137, %dma_wait3A_143] : memref<2x16384xf32, #tpu.memory_space<vmem>> -> memref<1x16384xf32, #tpu.memory_space<vmem>>
        %dma_wait3A_145 = tpu.memref_squeeze %dma_wait3A_144 : memref<1x16384xf32, #tpu.memory_space<vmem>> -> memref<16384xf32, #tpu.memory_space<vmem>>
        tpu.wait_dma2 semaphore(%arg15 : memref<!tpu.dma_semaphore, #tpu.memory_space<semaphore_mem>>) src(%dma_wait3A_145 : memref<16384xf32, #tpu.memory_space<vmem>>) dst(%dma_wait3A_142 : memref<16384xf32, #tpu.memory_space<hbm>>)
      } else {
      }
      %iota3A_109 = tpu.iota {dimensions = array<i32: 0>} : vector<16xi32>
      %and3A_110 = arith.constant 3 : i32
      %and3A_111 = vector.broadcast %and3A_110 : i32 to vector<16xi32>
      %and3A_112 = arith.andi %iota3A_109, %and3A_111 : vector<16xi32>
      %parallel_loop3A_113 = arith.constant 0 : i32
      %parallel_loop3A_114 = arith.constant 16384 : i32
      %parallel_loop3A_115 = arith.constant 16 : i32
      scf.for %parallel_loop3A_133 = %parallel_loop3A_113 to %parallel_loop3A_114 step %parallel_loop3A_115  : i32 {
        %parallel_loop3A_134 = arith.constant 1 : i32
        %parallel_loop3A_135 = arith.index_cast %parallel_loop3A_134 : i32 to index
        %parallel_loop3A_136 = arith.index_cast %parallel_loop3A_133 : i32 to index
        %parallel_loop3A_137 = tpu.vector_load %arg10[%parallel_loop3A_135, %parallel_loop3A_136] {strides = array<i32>} : memref<2x16384xf32, #tpu.memory_space<vmem>>, vector<16xf32>,
        %parallel_loop3A_138 = arith.constant 4.095000e+03 : f32
        %parallel_loop3A_139 = vector.broadcast %parallel_loop3A_138 : f32 to vector<16xf32>
        %parallel_loop3A_140 = arith.mulf %parallel_loop3A_137, %parallel_loop3A_139 : vector<16xf32>
        %parallel_loop3A_141 = arith.fptosi %parallel_loop3A_140 : vector<16xf32> to vector<16xi32>
        %parallel_loop3A_142 = arith.sitofp %parallel_loop3A_141 : vector<16xi32> to vector<16xf32>
        %parallel_loop3A_143 = arith.subf %parallel_loop3A_140, %parallel_loop3A_142 : vector<16xf32>
        %parallel_loop3A_144 = arith.constant 2 : i32
        %parallel_loop3A_145 = vector.broadcast %parallel_loop3A_144 : i32 to vector<16xi32>
        %parallel_loop3A_146 = arith.shli %parallel_loop3A_141, %parallel_loop3A_145 : vector<16xi32>
        %parallel_loop3A_147 = arith.ori %parallel_loop3A_146, %and3A_112 : vector<16xi32>
        %parallel_loop3A_148 = tpu.vector_load_idx %arg7[%parallel_loop3A_147] : memref<16384xf32, #tpu.memory_space<vmem>>[vector<16xi32>], vector<16xf32>,
        %parallel_loop3A_149 = tpu.vector_load_idx %arg8[%parallel_loop3A_147] : memref<16384xi32, #tpu.memory_space<vmem>>[vector<16xi32>], vector<16xi32>,
        %parallel_loop3A_150 = tpu.vector_load_idx %arg9[%parallel_loop3A_147] : memref<16384xf32, #tpu.memory_space<vmem>>[vector<16xi32>], vector<16xf32>,
        %parallel_loop3A_151 = arith.constant 16 : i32
        %parallel_loop3A_152 = vector.broadcast %parallel_loop3A_151 : i32 to vector<16xi32>
        %parallel_loop3A_153 = arith.shli %parallel_loop3A_149, %parallel_loop3A_152 : vector<16xi32>
        %parallel_loop3A_154 = vector.bitcast %parallel_loop3A_153 : vector<16xi32> to vector<16xf32>
        %parallel_loop3A_155 = arith.constant -65536 : i32
        %parallel_loop3A_156 = vector.broadcast %parallel_loop3A_155 : i32 to vector<16xi32>
        %parallel_loop3A_157 = arith.andi %parallel_loop3A_149, %parallel_loop3A_156 : vector<16xi32>
        %parallel_loop3A_158 = vector.bitcast %parallel_loop3A_157 : vector<16xi32> to vector<16xf32>
        %parallel_loop3A_159 = arith.mulf %parallel_loop3A_143, %parallel_loop3A_150 : vector<16xf32>
        %parallel_loop3A_160 = arith.addf %parallel_loop3A_158, %parallel_loop3A_159 : vector<16xf32>
        %parallel_loop3A_161 = arith.mulf %parallel_loop3A_143, %parallel_loop3A_160 : vector<16xf32>
        %parallel_loop3A_162 = arith.addf %parallel_loop3A_154, %parallel_loop3A_161 : vector<16xf32>
        %parallel_loop3A_163 = arith.mulf %parallel_loop3A_143, %parallel_loop3A_162 : vector<16xf32>
        %parallel_loop3A_164 = arith.addf %parallel_loop3A_148, %parallel_loop3A_163 : vector<16xf32>
        %parallel_loop3A_165 = arith.constant 1 : i32
        %parallel_loop3A_166 = arith.index_cast %parallel_loop3A_165 : i32 to index
        %parallel_loop3A_167 = arith.index_cast %parallel_loop3A_133 : i32 to index
        %parallel_loop3A_168 = tpu.vector_load %arg11[%parallel_loop3A_166, %parallel_loop3A_167] {strides = array<i32>} : memref<2x16384xf32, #tpu.memory_space<vmem>>, vector<16xf32>,
        tpu.vector_store %arg11[%parallel_loop3A_166, %parallel_loop3A_167], %parallel_loop3A_164 {strides = array<i32>} : memref<2x16384xf32, #tpu.memory_space<vmem>>, vector<16xf32>,
      } {sc.loop_unroll_factor = 4 : i64, sc.parallel_access}
      %mul3A_116 = arith.constant 16384 : i32
      %mul3A_117 = arith.muli %add3A_91, %mul3A_116 : i32
      %add3A_118 = arith.addi %mul3A_2, %mul3A_117 : i32
      %dma_start3A_119 = arith.constant 1 : i32
      %dma_start3A_120 = arith.constant 0 : i32
      %dma_start3A_121 = tpu.memref_slice %arg11[%dma_start3A_119, %dma_start3A_120] : memref<2x16384xf32, #tpu.memory_space<vmem>> -> memref<1x16384xf32, #tpu.memory_space<vmem>>
      %dma_start3A_122 = tpu.memref_squeeze %dma_start3A_121 : memref<1x16384xf32, #tpu.memory_space<vmem>> -> memref<16384xf32, #tpu.memory_space<vmem>>
      %dma_start3A_123 = tpu.memref_slice %arg6[%add3A_118] : memref<16777216xf32, #tpu.memory_space<hbm>> -> memref<16384xf32, #tpu.memory_space<hbm>>
      %dma_start3A_124 = tpu.memref_slice %arg6[%add3A_118] : memref<16777216xf32, #tpu.memory_space<hbm>> -> memref<16384xf32, #tpu.memory_space<hbm>>
      %dma_start3A_125 = arith.constant 0 : i32
      %dma_start3A_126 = tpu.memref_slice %arg11[%dma_start3A_119, %dma_start3A_125] : memref<2x16384xf32, #tpu.memory_space<vmem>> -> memref<1x16384xf32, #tpu.memory_space<vmem>>
      %dma_start3A_127 = tpu.memref_squeeze %dma_start3A_126 : memref<1x16384xf32, #tpu.memory_space<vmem>> -> memref<16384xf32, #tpu.memory_space<vmem>>
      tpu.enqueue_dma source(%dma_start3A_127 : memref<16384xf32, #tpu.memory_space<vmem>>) target(%dma_start3A_124 : memref<16384xf32, #tpu.memory_space<hbm>>) target_semaphore(%arg15 : memref<!tpu.dma_semaphore, #tpu.memory_space<semaphore_mem>>)
      %lt3A_128 = arith.constant 15 : i32
      %lt3A_129 = arith.cmpi slt, %scan3A_49, %lt3A_128 : i32
      %convert_element_type3A_130 = arith.extui %lt3A_129 : i1 to i32
      %cond3A_131 = arith.constant 0 : i32
      %cond3A_132 = arith.cmpi ne, %convert_element_type3A_130, %cond3A_131 : i32
      scf.if %cond3A_132 {
        %add3A_133 = arith.constant 2 : i32
        %add3A_134 = arith.addi %add3A_91, %add3A_133 : i32
        %mul3A_135 = arith.constant 16384 : i32
        %mul3A_136 = arith.muli %add3A_134, %mul3A_135 : i32
        %add3A_137 = arith.addi %mul3A_2, %mul3A_136 : i32
        %dma_start3A_138 = arith.constant 1 : i32
        %dma_start3A_139 = arith.constant 0 : i32
        %dma_start3A_140 = tpu.memref_slice %arg10[%dma_start3A_138, %dma_start3A_139] : memref<2x16384xf32, #tpu.memory_space<vmem>> -> memref<1x16384xf32, #tpu.memory_space<vmem>>
        %dma_start3A_141 = tpu.memref_squeeze %dma_start3A_140 : memref<1x16384xf32, #tpu.memory_space<vmem>> -> memref<16384xf32, #tpu.memory_space<vmem>>
        %dma_start3A_142 = tpu.memref_slice %arg2[%add3A_137] : memref<16777216xf32, #tpu.memory_space<hbm>> -> memref<16384xf32, #tpu.memory_space<hbm>>
        %dma_start3A_143 = arith.constant 0 : i32
        %dma_start3A_144 = tpu.memref_slice %arg10[%dma_start3A_138, %dma_start3A_143] : memref<2x16384xf32, #tpu.memory_space<vmem>> -> memref<1x16384xf32, #tpu.memory_space<vmem>>
        %dma_start3A_145 = tpu.memref_squeeze %dma_start3A_144 : memref<1x16384xf32, #tpu.memory_space<vmem>> -> memref<16384xf32, #tpu.memory_space<vmem>>
        %dma_start3A_146 = tpu.memref_slice %arg2[%add3A_137] : memref<16777216xf32, #tpu.memory_space<hbm>> -> memref<16384xf32, #tpu.memory_space<hbm>>
        tpu.enqueue_dma source(%dma_start3A_146 : memref<16384xf32, #tpu.memory_space<hbm>>) target(%dma_start3A_145 : memref<16384xf32, #tpu.memory_space<vmem>>) target_semaphore(%arg13 : memref<!tpu.dma_semaphore, #tpu.memory_space<semaphore_mem>>)
      } else {
      }
    }
    %scan3A_27 = arith.constant 16 : i32
    %add3A_28 = arith.constant 491520 : i32
    %add3A_29 = arith.addi %mul3A_2, %add3A_28 : i32
    %dma_wait3A = arith.constant 0 : i32
    %dma_wait3A_30 = arith.constant 0 : i32
    %dma_wait3A_31 = tpu.memref_slice %arg11[%dma_wait3A, %dma_wait3A_30] : memref<2x16384xf32, #tpu.memory_space<vmem>> -> memref<1x16384xf32, #tpu.memory_space<vmem>>
    %dma_wait3A_32 = tpu.memref_squeeze %dma_wait3A_31 : memref<1x16384xf32, #tpu.memory_space<vmem>> -> memref<16384xf32, #tpu.memory_space<vmem>>
    %dma_wait3A_33 = tpu.memref_slice %arg6[%add3A_29] : memref<16777216xf32, #tpu.memory_space<hbm>> -> memref<16384xf32, #tpu.memory_space<hbm>>
    %dma_wait3A_34 = tpu.memref_slice %arg6[%add3A_29] : memref<16777216xf32, #tpu.memory_space<hbm>> -> memref<16384xf32, #tpu.memory_space<hbm>>
    %dma_wait3A_35 = arith.constant 0 : i32
    %dma_wait3A_36 = tpu.memref_slice %arg11[%dma_wait3A, %dma_wait3A_35] : memref<2x16384xf32, #tpu.memory_space<vmem>> -> memref<1x16384xf32, #tpu.memory_space<vmem>>
    %dma_wait3A_37 = tpu.memref_squeeze %dma_wait3A_36 : memref<1x16384xf32, #tpu.memory_space<vmem>> -> memref<16384xf32, #tpu.memory_space<vmem>>
    tpu.wait_dma2 semaphore(%arg14 : memref<!tpu.dma_semaphore, #tpu.memory_space<semaphore_mem>>) src(%dma_wait3A_37 : memref<16384xf32, #tpu.memory_space<vmem>>) dst(%dma_wait3A_34 : memref<16384xf32, #tpu.memory_space<hbm>>)
    %add3A_38 = arith.constant 507904 : i32
    %add3A_39 = arith.addi %mul3A_2, %add3A_38 : i32
    %dma_wait3A_40 = arith.constant 1 : i32
    %dma_wait3A_41 = arith.constant 0 : i32
    %dma_wait3A_42 = tpu.memref_slice %arg11[%dma_wait3A_40, %dma_wait3A_41] : memref<2x16384xf32, #tpu.memory_space<vmem>> -> memref<1x16384xf32, #tpu.memory_space<vmem>>
    %dma_wait3A_43 = tpu.memref_squeeze %dma_wait3A_42 : memref<1x16384xf32, #tpu.memory_space<vmem>> -> memref<16384xf32, #tpu.memory_space<vmem>>
    %dma_wait3A_44 = tpu.memref_slice %arg6[%add3A_39] : memref<16777216xf32, #tpu.memory_space<hbm>> -> memref<16384xf32, #tpu.memory_space<hbm>>
    %dma_wait3A_45 = tpu.memref_slice %arg6[%add3A_39] : memref<16777216xf32, #tpu.memory_space<hbm>> -> memref<16384xf32, #tpu.memory_space<hbm>>
    %dma_wait3A_46 = arith.constant 0 : i32
    %dma_wait3A_47 = tpu.memref_slice %arg11[%dma_wait3A_40, %dma_wait3A_46] : memref<2x16384xf32, #tpu.memory_space<vmem>> -> memref<1x16384xf32, #tpu.memory_space<vmem>>
    %dma_wait3A_48 = tpu.memref_squeeze %dma_wait3A_47 : memref<1x16384xf32, #tpu.memory_space<vmem>> -> memref<16384xf32, #tpu.memory_space<vmem>>
    tpu.wait_dma2 semaphore(%arg15 : memref<!tpu.dma_semaphore, #tpu.memory_space<semaphore_mem>>) src(%dma_wait3A_48 : memref<16384xf32, #tpu.memory_space<vmem>>) dst(%dma_wait3A_45 : memref<16384xf32, #tpu.memory_space<hbm>>)
    return
  }
}

module attributes {stable_mosaic.version = 14 : i64} {
  func.func @_coef_body(%arg0: memref<1x4096xf32, #tpu.memory_space<vmem>>, %arg1: memref<1x4096xf32, #tpu.memory_space<vmem>>, %arg2: memref<1x4096xi32, #tpu.memory_space<vmem>>, %arg3: memref<1x4096xf32, #tpu.memory_space<vmem>>) attributes {dimension_semantics = [], scalar_prefetch = 0 : i64, scratch_operands = 0 : i64, tpu.core_type = #tpu.core_type<tc>} {
    %get3A = arith.constant 0 : index
    %get3A_0 = arith.constant 0 : index
    %get3A_1 = vector.load %arg0[%get3A, %get3A_0] : memref<1x4096xf32, #tpu.memory_space<vmem>>, vector<1x4096xf32>
    %slice3A = vector.extract_strided_slice %get3A_1 {offsets = [0, 1], sizes = [1, 4095], strides = [1, 1]} : vector<1x4096xf32> to vector<1x4095xf32>
    %slice3A_2 = vector.extract_strided_slice %get3A_1 {offsets = [0, 0], sizes = [1, 1], strides = [1, 1]} : vector<1x4096xf32> to vector<1x1xf32>
    %concatenate3A = tpu.concatenate %slice3A, %slice3A_2 in 1 : vector<1x4095xf32>, vector<1x1xf32> -> vector<1x4096xf32>
    %sub3A = arith.subf %concatenate3A, %get3A_1 : vector<1x4096xf32>
    %mul3A = arith.constant 4.095000e+03 : f32
    %mul3A_3 = vector.broadcast %mul3A : f32 to vector<1x4096xf32>
    %mul3A_4 = arith.mulf %sub3A, %mul3A_3 : vector<1x4096xf32>
    %iota3A = tpu.iota {dimensions = array<i32: 1>} : vector<1x4096xi32>
    %slice3A_5 = vector.extract_strided_slice %mul3A_4 {offsets = [0, 4095], sizes = [1, 1], strides = [1, 1]} : vector<1x4096xf32> to vector<1x1xf32>
    %slice3A_6 = vector.extract_strided_slice %mul3A_4 {offsets = [0, 0], sizes = [1, 4095], strides = [1, 1]} : vector<1x4096xf32> to vector<1x4095xf32>
    %concatenate3A_7 = tpu.concatenate %slice3A_5, %slice3A_6 in 1 : vector<1x1xf32>, vector<1x4095xf32> -> vector<1x4096xf32>
    %slice3A_8 = vector.extract_strided_slice %mul3A_4 {offsets = [0, 4094], sizes = [1, 2], strides = [1, 1]} : vector<1x4096xf32> to vector<1x2xf32>
    %slice3A_9 = vector.extract_strided_slice %mul3A_4 {offsets = [0, 0], sizes = [1, 4094], strides = [1, 1]} : vector<1x4096xf32> to vector<1x4094xf32>
    %concatenate3A_10 = tpu.concatenate %slice3A_8, %slice3A_9 in 1 : vector<1x2xf32>, vector<1x4094xf32> -> vector<1x4096xf32>
    %slice3A_11 = vector.extract_strided_slice %mul3A_4 {offsets = [0, 1], sizes = [1, 4095], strides = [1, 1]} : vector<1x4096xf32> to vector<1x4095xf32>
    %slice3A_12 = vector.extract_strided_slice %mul3A_4 {offsets = [0, 0], sizes = [1, 1], strides = [1, 1]} : vector<1x4096xf32> to vector<1x1xf32>
    %concatenate3A_13 = tpu.concatenate %slice3A_11, %slice3A_12 in 1 : vector<1x4095xf32>, vector<1x1xf32> -> vector<1x4096xf32>
    %eq3A = arith.constant 4095 : i32
    %eq3A_14 = vector.broadcast %eq3A : i32 to vector<1x4096xi32>
    %eq3A_15 = arith.cmpi eq, %iota3A, %eq3A_14 : vector<1x4096xi32>
    %mul3A_16 = arith.constant 2.000000e+00 : f32
    %mul3A_17 = vector.broadcast %mul3A_16 : f32 to vector<1x4096xf32>
    %mul3A_18 = arith.mulf %mul3A_17, %concatenate3A_7 : vector<1x4096xf32>
    %sub3A_19 = arith.subf %mul3A_18, %concatenate3A_10 : vector<1x4096xf32>
    %select_n3A = arith.select %eq3A_15, %sub3A_19, %mul3A_4 : vector<1x4096xi1>, vector<1x4096xf32>
    %eq3A_20 = arith.constant 4094 : i32
    %eq3A_21 = vector.broadcast %eq3A_20 : i32 to vector<1x4096xi32>
    %eq3A_22 = arith.cmpi eq, %iota3A, %eq3A_21 : vector<1x4096xi32>
    %mul3A_23 = arith.constant 2.000000e+00 : f32
    %mul3A_24 = vector.broadcast %mul3A_23 : f32 to vector<1x4096xf32>
    %mul3A_25 = arith.mulf %mul3A_24, %mul3A_4 : vector<1x4096xf32>
    %sub3A_26 = arith.subf %mul3A_25, %concatenate3A_7 : vector<1x4096xf32>
    %eq3A_27 = arith.constant 4095 : i32
    %eq3A_28 = vector.broadcast %eq3A_27 : i32 to vector<1x4096xi32>
    %eq3A_29 = arith.cmpi eq, %iota3A, %eq3A_28 : vector<1x4096xi32>
    %mul3A_30 = arith.constant 3.000000e+00 : f32
    %mul3A_31 = vector.broadcast %mul3A_30 : f32 to vector<1x4096xf32>
    %mul3A_32 = arith.mulf %mul3A_31, %concatenate3A_7 : vector<1x4096xf32>
    %mul3A_33 = arith.constant 2.000000e+00 : f32
    %mul3A_34 = vector.broadcast %mul3A_33 : f32 to vector<1x4096xf32>
    %mul3A_35 = arith.mulf %mul3A_34, %concatenate3A_10 : vector<1x4096xf32>
    %sub3A_36 = arith.subf %mul3A_32, %mul3A_35 : vector<1x4096xf32>
    %select_n3A_37 = arith.select %eq3A_29, %sub3A_36, %concatenate3A_13 : vector<1x4096xi1>, vector<1x4096xf32>
    %select_n3A_38 = arith.select %eq3A_22, %sub3A_26, %select_n3A_37 : vector<1x4096xi1>, vector<1x4096xf32>
    %eq3A_39 = arith.constant 0 : i32
    %eq3A_40 = vector.broadcast %eq3A_39 : i32 to vector<1x4096xi32>
    %eq3A_41 = arith.cmpi eq, %iota3A, %eq3A_40 : vector<1x4096xi32>
    %mul3A_42 = arith.constant 2.000000e+00 : f32
    %mul3A_43 = vector.broadcast %mul3A_42 : f32 to vector<1x4096xf32>
    %mul3A_44 = arith.mulf %mul3A_43, %mul3A_4 : vector<1x4096xf32>
    %sub3A_45 = arith.subf %mul3A_44, %concatenate3A_13 : vector<1x4096xf32>
    %select_n3A_46 = arith.select %eq3A_41, %sub3A_45, %concatenate3A_7 : vector<1x4096xi1>, vector<1x4096xf32>
    %eq3A_47 = arith.constant 0 : i32
    %eq3A_48 = vector.broadcast %eq3A_47 : i32 to vector<1x4096xi32>
    %eq3A_49 = arith.cmpi eq, %iota3A, %eq3A_48 : vector<1x4096xi32>
    %mul3A_50 = arith.constant 3.000000e+00 : f32
    %mul3A_51 = vector.broadcast %mul3A_50 : f32 to vector<1x4096xf32>
    %mul3A_52 = arith.mulf %mul3A_51, %mul3A_4 : vector<1x4096xf32>
    %mul3A_53 = arith.constant 2.000000e+00 : f32
    %mul3A_54 = vector.broadcast %mul3A_53 : f32 to vector<1x4096xf32>
    %mul3A_55 = arith.mulf %mul3A_54, %concatenate3A_13 : vector<1x4096xf32>
    %sub3A_56 = arith.subf %mul3A_52, %mul3A_55 : vector<1x4096xf32>
    %eq3A_57 = arith.constant 1 : i32
    %eq3A_58 = vector.broadcast %eq3A_57 : i32 to vector<1x4096xi32>
    %eq3A_59 = arith.cmpi eq, %iota3A, %eq3A_58 : vector<1x4096xi32>
    %mul3A_60 = arith.constant 2.000000e+00 : f32
    %mul3A_61 = vector.broadcast %mul3A_60 : f32 to vector<1x4096xf32>
    %mul3A_62 = arith.mulf %mul3A_61, %concatenate3A_7 : vector<1x4096xf32>
    %sub3A_63 = arith.subf %mul3A_62, %mul3A_4 : vector<1x4096xf32>
    %select_n3A_64 = arith.select %eq3A_59, %sub3A_63, %concatenate3A_10 : vector<1x4096xi1>, vector<1x4096xf32>
    %select_n3A_65 = arith.select %eq3A_49, %sub3A_56, %select_n3A_64 : vector<1x4096xi1>, vector<1x4096xf32>
    %sub3A_66 = arith.subf %select_n3A_38, %select_n3A : vector<1x4096xf32>
    %abs3A = math.absf %sub3A_66 : vector<1x4096xf32>
    %sub3A_67 = arith.subf %select_n3A_46, %select_n3A_65 : vector<1x4096xf32>
    %abs3A_68 = math.absf %sub3A_67 : vector<1x4096xf32>
    %add3A = arith.addf %abs3A, %abs3A_68 : vector<1x4096xf32>
    %gt3A = arith.constant 9.99999971E-10 : f32
    %gt3A_69 = vector.broadcast %gt3A : f32 to vector<1x4096xf32>
    %gt3A_70 = arith.cmpf ogt, %add3A, %gt3A_69 : vector<1x4096xf32>
    %mul3A_71 = arith.mulf %abs3A, %select_n3A_46 : vector<1x4096xf32>
    %mul3A_72 = arith.mulf %abs3A_68, %select_n3A : vector<1x4096xf32>
    %add3A_73 = arith.addf %mul3A_71, %mul3A_72 : vector<1x4096xf32>
    %jit3A = arith.constant 1.000000e+00 : f32
    %broadcast_in_dim3A = vector.broadcast %jit3A : f32 to vector<1x4096xf32>
    %select_n3A_74 = arith.select %gt3A_70, %add3A, %broadcast_in_dim3A : vector<1x4096xi1>, vector<1x4096xf32>
    %div3A = arith.divf %add3A_73, %select_n3A_74 : vector<1x4096xf32>
    %add3A_75 = arith.addf %select_n3A_46, %select_n3A : vector<1x4096xf32>
    %mul3A_76 = arith.constant 5.000000e-01 : f32
    %mul3A_77 = vector.broadcast %mul3A_76 : f32 to vector<1x4096xf32>
    %mul3A_78 = arith.mulf %mul3A_77, %add3A_75 : vector<1x4096xf32>
    %select_n3A_79 = arith.select %gt3A_70, %div3A, %mul3A_78 : vector<1x4096xi1>, vector<1x4096xf32>
    %slice3A_80 = vector.extract_strided_slice %select_n3A_79 {offsets = [0, 1], sizes = [1, 4095], strides = [1, 1]} : vector<1x4096xf32> to vector<1x4095xf32>
    %slice3A_81 = vector.extract_strided_slice %select_n3A_79 {offsets = [0, 0], sizes = [1, 1], strides = [1, 1]} : vector<1x4096xf32> to vector<1x1xf32>
    %concatenate3A_82 = tpu.concatenate %slice3A_80, %slice3A_81 in 1 : vector<1x4095xf32>, vector<1x1xf32> -> vector<1x4096xf32>
    %sub3A_83 = arith.subf %concatenate3A, %get3A_1 : vector<1x4096xf32>
    %mul3A_84 = arith.constant 2.44200259E-4 : f32
    %mul3A_85 = vector.broadcast %mul3A_84 : f32 to vector<1x4096xf32>
    %mul3A_86 = arith.mulf %mul3A_85, %select_n3A_79 : vector<1x4096xf32>
    %mul3A_87 = arith.constant 2.44200259E-4 : f32
    %mul3A_88 = vector.broadcast %mul3A_87 : f32 to vector<1x4096xf32>
    %mul3A_89 = arith.mulf %mul3A_88, %concatenate3A_82 : vector<1x4096xf32>
    %mul3A_90 = arith.constant 3.000000e+00 : f32
    %mul3A_91 = vector.broadcast %mul3A_90 : f32 to vector<1x4096xf32>
    %mul3A_92 = arith.mulf %mul3A_91, %sub3A_83 : vector<1x4096xf32>
    %mul3A_93 = arith.constant 2.000000e+00 : f32
    %mul3A_94 = vector.broadcast %mul3A_93 : f32 to vector<1x4096xf32>
    %mul3A_95 = arith.mulf %mul3A_94, %mul3A_86 : vector<1x4096xf32>
    %sub3A_96 = arith.subf %mul3A_92, %mul3A_95 : vector<1x4096xf32>
    %sub3A_97 = arith.subf %sub3A_96, %mul3A_89 : vector<1x4096xf32>
    %convert_element_type3A = arith.truncf %mul3A_86 : vector<1x4096xf32> to vector<1x4096xbf16>
    %bitcast_convert_type3A = tpu.bitcast %convert_element_type3A : vector<1x4096xbf16> -> vector<1x4096xi16>
    %convert_element_type3A_98 = arith.extui %bitcast_convert_type3A : vector<1x4096xi16> to vector<1x4096xi32>
    %convert_element_type3A_99 = arith.truncf %sub3A_97 : vector<1x4096xf32> to vector<1x4096xbf16>
    %bitcast_convert_type3A_100 = tpu.bitcast %convert_element_type3A_99 : vector<1x4096xbf16> -> vector<1x4096xi16>
    %convert_element_type3A_101 = arith.extui %bitcast_convert_type3A_100 : vector<1x4096xi16> to vector<1x4096xi32>
    %swap3A = arith.constant 0 : index
    %swap3A_102 = arith.constant 0 : index
    %swap3A_103 = vector.load %arg1[%swap3A, %swap3A_102] : memref<1x4096xf32, #tpu.memory_space<vmem>>, vector<1x4096xf32>
    tpu.vector_store %arg1[%swap3A, %swap3A_102], %get3A_1 {strides = array<i32>} : memref<1x4096xf32, #tpu.memory_space<vmem>>, vector<1x4096xf32>,
    %shift_left3A = arith.constant 16 : i32
    %shift_left3A_104 = vector.broadcast %shift_left3A : i32 to vector<1x4096xi32>
    %shift_left3A_105 = arith.shli %convert_element_type3A_101, %shift_left3A_104 : vector<1x4096xi32>
    %or3A = arith.ori %convert_element_type3A_98, %shift_left3A_105 : vector<1x4096xi32>
    %bitcast_convert_type3A_106 = tpu.bitcast %or3A : vector<1x4096xi32> -> vector<1x4096xi32>
    %swap3A_107 = arith.constant 0 : index
    %swap3A_108 = arith.constant 0 : index
    %swap3A_109 = vector.load %arg2[%swap3A_107, %swap3A_108] : memref<1x4096xi32, #tpu.memory_space<vmem>>, vector<1x4096xi32>
    tpu.vector_store %arg2[%swap3A_107, %swap3A_108], %bitcast_convert_type3A_106 {strides = array<i32>} : memref<1x4096xi32, #tpu.memory_space<vmem>>, vector<1x4096xi32>,
    %add3A_110 = arith.addf %mul3A_86, %mul3A_89 : vector<1x4096xf32>
    %mul3A_111 = arith.constant 2.000000e+00 : f32
    %mul3A_112 = vector.broadcast %mul3A_111 : f32 to vector<1x4096xf32>
    %mul3A_113 = arith.mulf %mul3A_112, %sub3A_83 : vector<1x4096xf32>
    %sub3A_114 = arith.subf %add3A_110, %mul3A_113 : vector<1x4096xf32>
    %swap3A_115 = arith.constant 0 : index
    %swap3A_116 = arith.constant 0 : index
    %swap3A_117 = vector.load %arg3[%swap3A_115, %swap3A_116] : memref<1x4096xf32, #tpu.memory_space<vmem>>, vector<1x4096xf32>
    tpu.vector_store %arg3[%swap3A_115, %swap3A_116], %sub3A_114 {strides = array<i32>} : memref<1x4096xf32, #tpu.memory_space<vmem>>, vector<1x4096xf32>,
    return
  }
}

</mosaic_0001>

<sc_bundles>
// kernel: kernel.4.cloned.1.call-start
scs
__scs_entry_jumppad:
0x0: {  	(pc) =	sbr.rel $0x88, $3  }
0x1: {  	(tag) =	ssettag $0x0;
	lr =	simm.s32 $0x1  }
0x2: {  	[smem:$0x3F9F] =	sst lr;
	_ =	strace $0xD0000000  }
0x3: {  	_ = 	snop  }
0x4: {  	_ = 	snop  }
0x5: {  	_ = 	snop  }
0x6: {  	_ = 	snop  }
0x7: {  	_ = 	snop  }
__scs_overlays_trampoline_lowered:
0x8: {  	[smem:$0x3FAE] =	sst s0  }
0x9: {  	[smem:$0x3FAF] =	sst s1  }
0xa: {  	[smem:$0x3FB0] =	sst s2  }
0xb: {  	[smem:$0x3FB1] =	sst s3  }
0xc: {  	[smem:$0x3FB2] =	sst s4  }
0xd: {  	[smem:$0x3FB3] =	sst s5  }
0xe: {  	[smem:$0x3FB4] =	sst s6  }
0xf: {  	[smem:$0x3FB5] =	sst s7  }
0x10: {  	[smem:$0x3FB6] =	sst s8  }
0x11: {  	[smem:$0x3FB7] =	sst s9;
	s0 =	simm.s32 @!p0 $0x0  }
0x12: {  	s1 =	sld [smem:$0x3F9D];
	s0 =	simm.s32 @p0 $0x1  }
0x13: {  	[smem:$0x3FB8] =	sst s0;
	s0 =	simm.s32 @!p1 $0x0  }
0x14: {  	s2 =	sld [smem:$0x3F9C];
	s0 =	simm.s32 @p1 $0x1  }
0x15: {  	[smem:$0x3FB9] =	sst s0;
	s0 =	simm.s32 @!p2 $0x0  }
0x16: {  	s3 =	sld [smem:$0x3FDB];
	s0 =	simm.s32 @p2 $0x1  }
0x17: {  	s4 =	simm.s32 $0x1BF5;
	[smem:$0x3FBB] =	sst s0  }
0x18: {  	s0 =	sld [smem:$0x3F9E];
	_ =	swait.ge [sflag:s4], $0x0  }
0x19: {  	s7 =	sld [smem:$0x3F9F]  }
0x1a: {  	s8 =	sadd.s32 $0xFFFFE003, lr  }
0x1b: {  	s9 =	sadd.s32 $0xFFFFFEF7, lr;
	s5 =	simm.s32 $0xFFFFFFFF;
	p2 =	slt.u32 s8, $0xFFFFF086  }
0x1c: {  	p1 =	slt.u32 s9, $0xF7A;
	s5 =	simm.s32 @!p2 $0x0  }
0x1d: {  	s5 =	simm.s32 @p1 $0x1;
	p0 =	seq.s32 s7, s2  }
0x1e: {  	s7 =	smul.u32 @!p0 $0xF7A, s2;
	p2 =	seq.s32 @!p0 s5, $0x0  }
0x1f: {  	s9 =	smul.u32 $0xF7A, s1;
	s8 =	simm.s32 @!p0 $0x1BF5;
	p2 =	por !p2, p0  }
0x20: {  	[sflag:s8] =	ssyncset.s32 @!p0 $0xFFFFF086;
	s6 =	sadd.s32 @!p0 s3, s7;
	s7 =	simm.s32 @!p0 $0x108  }
0x21: {  	s3 =	sadd.s32 s3, s9;
	s6 =	sadd.s32 @!p0 $0x88, s6;
	s7 =	simm.s32 @p2 $0x1082  }
0x22: {  	[simem:s7], [sflag:s8] =	dma.local @!p0 [hbm:s6], $0xF7A  }
0x23: {  	s9 =	sor.u32 $0xD0000000, s2;
	s6 =	simm.s32 $0x108;
	_ =	swait.ge @!p0 [sflag:s8], $0x0  }
0x24: {  	s3 =	sadd.s32 $0x88, s3;
	s6 =	simm.s32 @!p1 $0x1082;
	[sflag:s4] =	ssyncset.s32 $0xFFFFF086  }
0x25: {  	[simem:s6], [sflag:s4] =	dma.local [hbm:s3], $0xF7A  }
0x26: {  	[smem:$0x3F9F] =	sst s1;
	(tag) =	ssettag s2;
	_ =	strace s9  }
0x27: {  	s1 =	sld [smem:$0x3FAF]  }
0x28: {  	s2 =	sld [smem:$0x3FB0]  }
0x29: {  	s4 =	sld [smem:$0x3FB2]  }
0x2a: {  	p0 =	seq.s32 s5, $0x0;
	s5 =	sld [smem:$0x3FB3]  }
0x2b: {  	s6 =	sld [smem:$0x3FB4]  }
0x2c: {  	s7 =	sld [smem:$0x3FB5]  }
0x2d: {  	s3 =	simm.s32 $0x108;
	s8 =	sld [smem:$0x3FB6]  }
0x2e: {  	s3 =	simm.s32 @!p0 $0x1082;
	s9 =	sld [smem:$0x3FB7]  }
0x2f: {  	lr =	sadd.s32 s0, s3;
	s0 =	sld [smem:$0x3FAE]  }
0x30: {  	s3 =	sld [smem:$0x3FB1]  }
0x31: {  	[smem:$0x3FBA] =	sst s10  }
0x32: {  	s10 =	sld [smem:$0x3FB8];
	_ =	sdelay $0x3  }
0x33: {  	p0 =	seq.s32 s10, $0x1;
	s10 =	sld [smem:$0x3FBA];
	_ =	sdelay $0x3  }
0x34: {  	[smem:$0x3FBA] =	sst s10  }
0x35: {  	s10 =	sld [smem:$0x3FB9];
	_ =	sdelay $0x3  }
0x36: {  	p1 =	seq.s32 s10, $0x1;
	s10 =	sld [smem:$0x3FBA];
	_ =	sdelay $0x3  }
0x37: {  	[smem:$0x3FBA] =	sst s10  }
0x38: {  	s10 =	sld [smem:$0x3FBB]  }
0x39: {  	_ = 	snop;
	(pc) =	sbr.ind lr, $3  }
0x3a: {  	_ = 	snop  }
0x3b: {  	_ = 	snop  }
0x3c: {  	p2 =	seq.s32 s10, $0x1;
	s10 =	sld [smem:$0x3FBA]  }
0x3d: {  	_ =	shalt  }
0x3e: {  	_ =	shalt  }
0x3f: {  	_ =	shalt  }
0x40: {  	_ =	shalt  }
0x41: {  	_ =	shalt  }
0x42: {  	_ =	shalt  }
0x43: {  	_ =	shalt  }
0x44: {  	_ =	shalt  }
0x45: {  	_ =	shalt  }
0x46: {  	_ =	shalt  }
0x47: {  	_ =	shalt  }
0x48: {  	_ =	shalt  }
0x49: {  	_ =	shalt  }
0x4a: {  	_ =	shalt  }
0x4b: {  	_ =	shalt  }
0x4c: {  	_ =	shalt  }
0x4d: {  	_ =	shalt  }
0x4e: {  	_ =	shalt  }
0x4f: {  	_ =	shalt  }
0x50: {  	_ =	shalt  }
0x51: {  	_ =	shalt  }
0x52: {  	_ =	shalt  }
0x53: {  	_ =	shalt  }
0x54: {  	_ =	shalt  }
0x55: {  	_ =	shalt  }
0x56: {  	_ =	shalt  }
0x57: {  	_ =	shalt  }
0x58: {  	_ =	shalt  }
0x59: {  	_ =	shalt  }
0x5a: {  	_ =	shalt  }
0x5b: {  	_ =	shalt  }
0x5c: {  	_ =	shalt  }
0x5d: {  	_ =	shalt  }
0x5e: {  	_ =	shalt  }
0x5f: {  	_ =	shalt  }
0x60: {  	_ =	shalt  }
0x61: {  	_ =	shalt  }
0x62: {  	_ =	shalt  }
0x63: {  	_ =	shalt  }
0x64: {  	_ =	shalt  }
0x65: {  	_ =	shalt  }
0x66: {  	_ =	shalt  }
0x67: {  	_ =	shalt  }
0x68: {  	_ =	shalt  }
0x69: {  	_ =	shalt  }
0x6a: {  	_ =	shalt  }
0x6b: {  	_ =	shalt  }
0x6c: {  	_ =	shalt  }
0x6d: {  	_ =	shalt  }
0x6e: {  	_ =	shalt  }
0x6f: {  	_ =	shalt  }
0x70: {  	_ =	shalt  }
0x71: {  	_ =	shalt  }
0x72: {  	_ =	shalt  }
0x73: {  	_ =	shalt  }
0x74: {  	_ =	shalt  }
0x75: {  	_ =	shalt  }
0x76: {  	_ =	shalt  }
0x77: {  	_ =	shalt  }
0x78: {  	_ =	shalt  }
0x79: {  	_ =	shalt  }
0x7a: {  	_ =	shalt  }
0x7b: {  	_ =	shalt  }
0x7c: {  	_ =	shalt  }
0x7d: {  	_ =	shalt  }
0x7e: {  	_ =	shalt  }
0x7f: {  	_ =	shalt  }
0x80: {  	_ =	shalt  }
0x81: {  	_ =	shalt  }
0x82: {  	_ =	shalt  }
0x83: {  	_ =	shalt  }
0x84: {  	_ =	shalt  }
0x85: {  	_ =	shalt  }
0x86: {  	_ =	shalt  }
0x87: {  	_ =	shalt  }
.Lfunc_end0:
.L_simem_size_0:
called_computation_lowered:
.L_overlay_start_0:
0x88: {  	s2 =	sld [smem:$0x3FD9]  }
0x89: {  	s3 =	sld [smem:$0x3FFE];
	_ =	sdelay $0x1  }
0x8a: {  	s1 =	srdreg.scid  }
0x8b: {  	s0 =	sand.u32 $0x1, s1  }
0x8c: {  	s17 =	sshll.u32 s0, $0xA;
	s2 =	sadd.s32 s3, s2  }
0x8d: {  	s2 =	sadd.s32 s2, s17  }
0x8e: {  	[smem:$0x3FC6] =	sst s2  }
0x8f: {  	_ = 	snop  }
0x90: {  	s2 =	sld [smem:$0x3FC9]  }
0x91: {  	s18 =	sld [smem:$0x3FD0];
	(tm) =	ssettm $0x1  }
0x92: {  	s4 =	sld [smem:$0x3FFB];
	_ =	sdelay $0x3  }
0x93: {  	_ =	strace s4  }
0x94: {  	s4 =	sld [smem:$0x3FFC];
	_ =	sdelay $0x3  }
0x95: {  	_ =	strace s4  }
0x96: {  	s4 =	sld [smem:$0x3FFD];
	_ =	sdelay $0x3  }
0x97: {  	_ =	strace s4  }
0x98: {  	_ =	strace $0x8FFFFFFF  }
0x99: {  	s19 =	sld [smem:$0x3FDB];
	_ =	sdelay $0x1  }
0x9a: {  	s5 =	simm.s32 $_scs_section_size  }
0x9b: {  	s6 =	simm.s32 $_size__tile_overlayer_lowered;
	s7 =	simm.s32 $_tile_overlayer_lowered  }
0x9c: {  	s22 =	simm.s32 $0x1BFF;
	s21 =	sshll.u32 s7, $0x1;
	s4 =	sadd.s32 s5, s19  }
0x9d: {  	s8 =	simm.s32 $0x0;
	s20 =	sshll.u32 s6, $0x1;
	s6 =	sadd.s32 s21, s4  }
0x9e: {  	[timem:s8], [sflag:s22] =	dma.local [hbm:s6], s20  }
0x9f: {  	_ =	swait.ge [sflag:s22], s20  }
0xa0: {  	s5 =	ssub.s32 $0x0, s20;
	[sflag:s22] =	ssyncset.done $0x0  }
0xa1: {  	[sflag:s22] =	ssyncadd.s32 s5;
	_ =	sdelay $0x1  }
0xa2: {  	s23 =	simm.s32 $0x1B8B  }
0xa3: {  	_ =	swait.ge [sflag:s23], $0x1  }
0xa4: {  	[sflag:s23] =	ssyncset.done $0x0  }
0xa5: {  	s25 =	simm.s32 $0x1B8E;
	s24 =	sld [smem:$0x3FFE];
	[sflag:s23] =	ssyncadd.s32 $0xFFFFFFFF  }
0xa6: {  	s26 =	simm.s32 $execute0_lowered;
	[smem:$0x3FD2] =	sst s25  }
0xa7: {  	s6 =	sshll.u32 s26, $0x1;
	_ =	strace $0x80000046;
	[dreg:$0x1] =	wrdreg $0xFFFFFFFF  }
0xa8: {  	s28 =	simm.s32 $_size_execute0_lowered;
	s4 =	sadd.s32 s4, s6;
	[dreg:$0x0] =	wrdreg $0x0  }
0xa9: {  	s6 =	sshll.u32 s28, $0x1;
	[dreg:$0x2] =	wrdreg s4  }
0xaa: {  	[dreg:$0x3] =	wrdreg s6  }
0xab: {  	[dreg:$0x4] =	wrdreg $0xC0  }
0xac: {  	_ =	task [dreg:s8], $0x5FFFF  }
0xad: {  	[dreg:$0x1] =	wrdreg $0xFFFFFFFF  }
0xae: {  	[dreg:$0x0] =	wrdreg $0x60  }
0xaf: {  	[dreg:$0x2] =	wrdreg s2  }
0xb0: {  	[dreg:$0x3] =	wrdreg s24  }
0xb1: {  	[dreg:$0x4] =	wrdreg s18  }
0xb2: {  	[dreg:$0x5] =	wrdreg $0x9  }
0xb3: {  	_ =	task.clear_ibuf [dreg:s8], $0x6FFFF;
	_ =	strace $0x90000046  }
0xb4: {  	s29 =	simm.s32 $0x9;
	_ =	strace $0x80000048  }
0xb5: {  	_ =	swait.ge [sflag:s29], $0x1  }
0xb6: {  	[sflag:s29] =	ssyncadd.s32 $0xFFFFFFFF  }
0xb7: {  	_ =	strace $0x90000048  }
0xb8: {  	_ =	sfence  }
0xb9: {  	s30 =	sld [smem:$0x0];
	_ =	sdelay $0x2  }
0xba: {  	s31 =	sshll.u32 s1, $0xD;
	s1 =	sshrl.u32 s1, $0x2  }
0xbb: {  	s3 =	sand.u32 $0x4000, s31;
	s1 =	sadd.s32 s1, s30  }
0xbc: {  	s0 =	sor.u32 s3, s0;
	s1 =	sshll.u32 s1, $0x11  }
0xbd: {  	s0 =	sor.u32 s1, s0  }
0xbe: {  	s0 =	sadd.s32 $0x8F2B, s0  }
0xbf: {  	[sflag:s0] =	ssyncadd.remote.s32 $0x1  }
0xc0: {  	_ =	sfence.sel $0xFFFF  }
0xc1: {  	[dreg:$0x0] =	wrdreg $0xFFFFFFFF;
	(pc) =	sbr.abs _section_cstart, $3  }
0xc2: {  	[dreg:$0x1] =	wrdreg $0xFFFFFFFF  }
0xc3: {  	_ =	task.clear_ibuf [dreg:s8], $0x2FFFF;
	_ =	strace $0x9FFFFFFF  }
0xc4: {  	(tm) =	ssettm $0x7FFFFFFF  }
0xc5: {  	_ =	shalt  }
tec
execute0_lowered:
.L_overlay_start_1:
0x0: {  	(tag) =	ssettag $0x1  }
0x1: {  	s1 =	rddreg [dreg:$0x0]  }
0x2: {  	s0 =	rddreg [dreg:$0x1]  }
0x3: {  	s3 =	rddreg [dreg:$0x2]  }
0x4: {  	s2 =	srdreg.scid;
	s4 =	simm.s32 $0x0;
	s5 =	stileid.u32  }
0x5: {  	s14 =	simm.s32 $0x5;
	s15 =	simm.s32 $0x4000;
	s16 =	simm.s32 $0x8000  }
0x6: {  	s17 =	simm.s32 $0xC000;
	s18 =	simm.s32 $0x10000;
	s19 =	simm.s32 $0x1  }
0x7: {  	s20 =	simm.s32 $0x14000;
	s21 =	simm.s32 $0x2;
	s22 =	simm.s32 $0x4  }
0x8: {  	s23 =	simm.s32 $0x18000;
	s24 =	simm.s32 $0x3;
	s25 =	simm.s32 $0x0  }
0x9: {  	s2 =	sand.u32 $0x1, s2;
	[smem:$0x7FF] =	sst s4;
	s5 =	sshll.u32 s5, $0x14  }
0xa: {  	s28 =	sadd.s32 $0x1000, s0;
	s7 =	sadd.s32 $0x800, s0;
	s9 =	sadd.s32 $0x1800, s0  }
.Ltmp0:
0xb: {  	s6 =	sshll.u32 s2, $0x13;
	_ =	strace $0x80000047;
	(pc) =	sbr.rel .LBB2_1-.Ltmp0, $4  }
0xc: {  	[dreg:$0x4] =	wrdreg s28;
	s2 =	ssub.s32 $0x2, s2;
	s5 =	sor.u32 s6, s5  }
0xd: {  	[dreg:$0x5] =	wrdreg s7;
	s30 =	sshrl.u32 s2, $0x1;
	s29 =	sshrl.u32 s5, $0x3  }
0xe: {  	v0 =	vlaneseq.u32;
	s31 =	ssub.s32 s2, s30;
	s11 =	sor.u32 $0x8000, s5;
	s8 =	sadd.s32 s1, s29  }
0xf: {  	v0 =	vand.u32 $0x3, v0;
	s12 =	sor.u32 $0xC000, s5;
	s13 =	smax.u32 s31, $0x1;
	s10 =	sadd.s32 $0x800, s8  }
.LBB2_12:
0x10: {  	s25 =	sadd.s32 $0x1, s25  }
0x11: {  	_ =	swait.ge [sflag:s24], $0x4000;
	p0 =	sne.s32 s25, s13  }
.Ltmp1:
0x12: {  	[sflag:s24] =	ssyncset.done $0x0;
	(pc) =	sbr.rel @!p0 .LBB2_13-.Ltmp1, $4  }
0x13: {  	[sflag:s24] =	ssyncadd.s32 $0xFFFFC000  }
0x14: {  	_ =	swait.ge [sflag:s22], $0x4000  }
0x15: {  	[sflag:s22] =	ssyncset.done $0x0  }
0x16: {  	[sflag:s22] =	ssyncadd.s32 $0xFFFFC000  }
.LBB2_1:
0x17: {  	s0 =	rddreg [dreg:$0x4]  }
0x18: {  	[tilespmem:s4], [sflag:$0x5] =	stream.linear.gather [hbm4b:s0+s4], $0x4000, $0x38;
	[tilespmem:$0x1C000] =	vst v63  }
0x19: {  	_ =	swait.ge [sflag:s14], $0x4000  }
0x1a: {  	[sflag:s14] =	ssyncset.done $0x0  }
0x1b: {  	s31 =	rddreg [dreg:$0x5];
	[sflag:s14] =	ssyncadd.s32 $0xFFFFC000  }
0x1c: {  	[tilespmem:s15], [sflag:$0x5] =	stream.linear.gather [hbm4b:s31+s4], $0x4000, $0x38;
	[tilespmem:$0x1C000] =	vst v63  }
0x1d: {  	_ =	swait.ge [sflag:s14], $0x4000  }
0x1e: {  	[sflag:s14] =	ssyncset.done $0x0  }
0x1f: {  	[sflag:s14] =	ssyncadd.s32 $0xFFFFC000  }
0x20: {  	[tilespmem:s16], [sflag:$0x5] =	stream.linear.gather [hbm4b:s9+s4], $0x4000, $0x38;
	[tilespmem:$0x1C000] =	vst v63  }
0x21: {  	_ =	swait.ge [sflag:s14], $0x4000  }
0x22: {  	[sflag:s14] =	ssyncset.done $0x0  }
0x23: {  	[sflag:s14] =	ssyncadd.s32 $0xFFFFC000  }
0x24: {  	[tilespmem:s17], [sflag:$0x1] =	stream.linear.gather [hbm4b:s8+s4], $0x4000, $0x38;
	[tilespmem:$0x1C000] =	vst v63  }
0x25: {  	s26 =	simm.s32 $0x0  }
0x26: {  	[tilespmem:s18], [sflag:$0x2] =	stream.linear.gather [hbm4b:s10+s4], $0x4000, $0x38;
	[tilespmem:$0x1C000] =	vst v63  }
.LBB2_2:
0x27: {  	_ =	swait.ge [sflag:s19], $0x4000  }
0x28: {  	p0 =	seq.s32 s26, $0x0;
	[sflag:s19] =	ssyncset.done $0x0  }
0x29: {  	s0 =	simm.s32 @!p0 $0x3;
	[sflag:s19] =	ssyncadd.s32 $0xFFFFC000  }
0x2a: {  	_ =	swait.ge @!p0 [sflag:s0], $0x4000  }
0x2b: {  	[sflag:s0] =	ssyncset.done @!p0 $0x0  }
0x2c: {  	s6 =	simm.s32 $0xC020;
	[sflag:s0] =	ssyncadd.s32 @!p0 $0xFFFFC000  }
0x2d: {  	v1 =	vld [tilespmem:s6+$0x10];
	_ =	sdelay $0x2  }
0x2e: {  	v2 =	vld [tilespmem:s6+$0xFFFFFFE0];
	_ =	sdelay $0x1  }
0x2f: {  	v1 =	vmul.f32 $4.095000000e+03, v1;
	_ =	sdelay $0x1  }
0x30: {  	v3 =	vtrunc.f32 v1  }
0x31: {  	v2 =	vmul.f32 $4.095000000e+03, v2;
	v3 =	vcvt.f32.s32 v3;
	_ =	sdelay $0x1  }
0x32: {  	v5 =	vld [tilespmem:s6+$0xFFFFFFF0];
	v6 =	vtrunc.f32 v2;
	v4 =	vshll.u32 v3, $0x2  }
0x33: {  	v6 =	vcvt.f32.s32 v6;
	v7 =	vor.u32 v0, v4;
	v4 =	vld [tilespmem:s6+$0x0]  }
0x34: {  	s7 =	simm.s32 $0xC060  }
0x35: {  	v13 =	vld [tilespmem:s7+$0x10];
	v8 =	vshll.u32 v6, $0x2;
	v6 =	vcvt.s32.f32 v6  }
0x36: {  	v17 =	vld [tilespmem:s7+$0xFFFFFFF0];
	v8 =	vor.u32 v0, v8  }
0x37: {  	v5 =	vmul.f32 $4.095000000e+03, v5;
	v6 =	vsub.f32 v2, v6;
	v2 =	vld [tilespmem:s7+$0x0]  }
0x38: {  	v9 =	vld.idx.msk [tilespmem:v7+s16+$0x0], $0xffff;
	v4 =	vmul.f32 $4.095000000e+03, v4  }
0x39: {  	v11 =	vtrunc.f32 v5;
	v3 =	vcvt.s32.f32 v3;
	v10 =	vld.idx.msk [tilespmem:v7+s15+$0x0], $0xffff  }
0x3a: {  	v15 =	vld [tilespmem:s7+$0xFFFFFFE0];
	v11 =	vcvt.f32.s32 v11;
	v12 =	vtrunc.f32 v4  }
0x3b: {  	v3 =	vsub.f32 v1, v3;
	v1 =	vcvt.f32.s32 v12;
	v12 =	vld.idx.msk [tilespmem:v8+s16+$0x0], $0xffff  }
0x3c: {  	v13 =	vmul.f32 $4.095000000e+03, v13;
	v17 =	vmul.f32 $4.095000000e+03, v17;
	v14 =	vshll.u32 v11, $0x2  }
0x3d: {  	v11 =	vcvt.s32.f32 v11;
	v14 =	vor.u32 v0, v14;
	v9 =	vmul.f32 v3, v9  }
0x3e: {  	v2 =	vmul.f32 $4.095000000e+03, v2;
	v16 =	vshll.u32 v1, $0x2;
	v18 =	vand.u32 $0xFFFF0000, v10  }
0x3f: {  	v16 =	vor.u32 v0, v16;
	v9 =	vadd.f32 v18, v9;
	v18 =	vcvt.s32.f32 v1  }
0x40: {  	v1 =	vsub.f32 v5, v11;
	v11 =	vmul.f32 v6, v12;
	v12 =	vmul.f32 $4.095000000e+03, v15  }
0x41: {  	v10 =	vshll.u32 v10, $0x10;
	v5 =	vmul.f32 v9, v3;
	v9 =	vtrunc.f32 v13  }
0x42: {  	v15 =	vld.idx.msk [tilespmem:v14+s16+$0x0], $0xffff;
	v4 =	vsub.f32 v4, v18;
	v18 =	vtrunc.f32 v17;
	v9 =	vcvt.f32.s32 v9  }
0x43: {  	v7 =	vld.idx.msk [tilespmem:v7+s4+$0x0], $0xffff;
	v18 =	vcvt.f32.s32 v18;
	v5 =	vadd.f32 v10, v5;
	v10 =	vtrunc.f32 v12  }
0x44: {  	v20 =	vld.idx.msk [tilespmem:v8+s15+$0x0], $0xffff;
	v21 =	vtrunc.f32 v2;
	v19 =	vshll.u32 v9, $0x2;
	v10 =	vcvt.f32.s32 v10  }
0x45: {  	v22 =	vld.idx.msk [tilespmem:v16+s16+$0x0], $0xffff;
	v24 =	vshll.u32 v18, $0x2;
	v18 =	vcvt.s32.f32 v18;
	v19 =	vor.u32 v0, v19  }
0x46: {  	s31 =	simm.s32 $0xC0A0;
	v23 =	vld.idx.msk [tilespmem:v14+s15+$0x0], $0xffff;
	v3 =	vmul.f32 v5, v3;
	v5 =	vcvt.f32.s32 v21;
	v21 =	vshll.u32 v10, $0x2  }
0x47: {  	v28 =	vld [tilespmem:s31+$0x10];
	v9 =	vcvt.s32.f32 v9;
	v15 =	vmul.f32 v1, v15;
	v25 =	vor.u32 v0, v21  }
0x48: {  	v29 =	vld.idx.msk [tilespmem:v8+s4+$0x0], $0xffff;
	v26 =	vadd.f32 v3, v7;
	v3 =	vcvt.s32.f32 v10;
	v7 =	vshll.u32 v5, $0x2  }
0x49: {  	v21 =	vld.idx.msk [tilespmem:v16+s15+$0x0], $0xffff;
	v10 =	vor.u32 v0, v24;
	v24 =	vcvt.s32.f32 v5;
	v27 =	vor.u32 v0, v7  }
0x4a: {  	v5 =	vsub.f32 v12, v3;
	v3 =	vand.u32 $0xFFFF0000, v20;
	v12 =	vmul.f32 v4, v22;
	v7 =	vld.idx.msk [tilespmem:v19+s16+$0x0], $0xffff  }
0x4b: {  	v22 =	vld.idx.msk [tilespmem:v19+s15+$0x0], $0xffff;
	v11 =	vadd.f32 v3, v11;
	v3 =	vsub.f32 v17, v18;
	v17 =	vand.u32 $0xFFFF0000, v23  }
0x4c: {  	v15 =	vadd.f32 v17, v15;
	v17 =	vld [tilespmem:s31+$0xFFFFFFF0]  }
0x4d: {  	v13 =	vsub.f32 v13, v9;
	v2 =	vsub.f32 v2, v24;
	v18 =	vld.idx.msk [tilespmem:v25+s16+$0x0], $0xffff;
	v9 =	vmul.f32 v11, v6  }
0x4e: {  	v24 =	vand.u32 $0xFFFF0000, v21;
	v11 =	vshll.u32 v20, $0x10;
	v20 =	vshll.u32 v23, $0x10;
	v23 =	vld [tilespmem:s31+$0x0]  }
0x4f: {  	v32 =	vld.idx.msk [tilespmem:v25+s15+$0x0], $0xffff;
	v12 =	vadd.f32 v24, v12;
	v9 =	vadd.f32 v11, v9;
	v11 =	vmul.f32 v15, v1  }
0x50: {  	v21 =	vshll.u32 v21, $0x10;
	v24 =	vld [tilespmem:s31+$0xFFFFFFE0];
	v7 =	vmul.f32 v13, v7;
	v15 =	vand.u32 $0xFFFF0000, v22  }
0x51: {  	v12 =	vmul.f32 v12, v4;
	v31 =	vmul.f32 v9, v6;
	v8 =	vadd.f32 v20, v11  }
0x52: {  	v11 =	vld.idx.msk [tilespmem:v10+s16+$0x0], $0xffff;
	v20 =	vmul.f32 $4.095000000e+03, v17;
	v30 =	vadd.f32 v15, v7;
	v15 =	vmul.f32 $4.095000000e+03, v28  }
0x53: {  	v9 =	vld.idx.msk [tilespmem:v14+s4+$0x0], $0xffff;
	v28 =	vmul.f32 v5, v18;
	v7 =	vadd.f32 v21, v12;
	v23 =	vmul.f32 $4.095000000e+03, v23  }
0x54: {  	v12 =	vld.idx.msk [tilespmem:v19+s4+$0x0], $0xffff;
	v18 =	vshll.u32 v22, $0x10;
	v63 =	vand.u32 $0xFFFF0000, v32;
	v6 =	vmul.f32 v30, v13  }
0x55: {  	v22 =	vld.idx.msk [tilespmem:v27+s15+$0x0], $0xffff;
	v24 =	vmul.f32 $4.095000000e+03, v24;
	v29 =	vadd.f32 v31, v29;
	v17 =	vtrunc.f32 v15  }
0x56: {  	v31 =	vld.idx.msk [tilespmem:v27+s16+$0x0], $0xffff;
	v30 =	vcvt.f32.s32 v17;
	v17 =	vtrunc.f32 v23;
	v14 =	vadd.f32 v18, v6  }
0x57: {  	v28 =	vadd.f32 v63, v28;
	v6 =	vld.idx.msk [tilespmem:v16+s4+$0x0], $0xffff;
	v16 =	vtrunc.f32 v20;
	v18 =	vtrunc.f32 v24  }
0x58: {  	v19 =	vshll.u32 v30, $0x2;
	v13 =	vmul.f32 v14, v13;
	v14 =	vcvt.f32.s32 v18  }
0x59: {  	v21 =	vld.idx.msk [tilespmem:v10+s15+$0x0], $0xffff;
	v33 =	vcvt.f32.s32 v17;
	v16 =	vcvt.f32.s32 v16;
	v19 =	vor.u32 v0, v19  }
0x5a: {  	v34 =	vmul.f32 v3, v11;
	v35 =	vadd.f32 v13, v12;
	v11 =	vshll.u32 v14, $0x2  }
0x5b: {  	s29 =	simm.s32 $0x14020;
	v17 =	vld.idx.msk [tilespmem:v25+s4+$0x0], $0xffff;
	v12 =	vcvt.s32.f32 v14;
	v13 =	vshll.u32 v16, $0x2;
	v14 =	vor.u32 v0, v11  }
0x5c: {  	[tilespmem:s29+$0xFFFFFFE0] =	vst v29;
	v29 =	vand.u32 $0xFFFF0000, v22;
	v31 =	vmul.f32 v2, v31;
	v11 =	vor.u32 v0, v13;
	v13 =	vld.idx.msk [tilespmem:v10+s4+$0x0], $0xffff  }
0x5d: {  	v16 =	vcvt.s32.f32 v16;
	v10 =	vld.idx.msk [tilespmem:v27+s4+$0x0], $0xffff;
	v18 =	vsub.f32 v24, v12;
	v24 =	vcvt.s32.f32 v33  }
0x5e: {  	v36 =	vand.u32 $0xFFFF0000, v21;
	v29 =	vadd.f32 v29, v31;
	v27 =	vcvt.s32.f32 v30;
	v25 =	vld.idx.msk [tilespmem:v19+s16+$0x0], $0xffff  }
0x5f: {  	s28 =	sshll.u32 s26, $0xF;
	s0 =	simm.s32 $0x14060;
	[tilespmem:s29+$0x10] =	vst v26;
	v12 =	vshll.u32 v33, $0x2;
	v20 =	vsub.f32 v20, v16;
	v16 =	vsub.f32 v23, v24;
	v23 =	vld.idx.msk [tilespmem:v19+s15+$0x0], $0xffff  }
0x60: {  	s2 =	simm.s32 $0x80;
	s30 =	sor.u32 s5, s28;
	s6 =	simm.s32 $0xC0E0;
	v26 =	vshll.u32 v32, $0x10;
	v30 =	vadd.f32 v36, v34;
	[tilespmem:s0+$0x10] =	vst v35;
	v12 =	vor.u32 v0, v12;
	v24 =	vld.idx.msk [tilespmem:v14+s16+$0x0], $0xffff  }
.LBB2_3:
0x61: {  	v31 =	vld [tilespmem:s6+$0x10];
	s2 =	sadd.s32 $0x40, s2;
	v27 =	vsub.f32 v15, v27;
	v15 =	vmul.f32 v28, v5;
	v21 =	vshll.u32 v21, $0x10  }
0x62: {  	v22 =	vshll.u32 v22, $0x10;
	v28 =	vld [tilespmem:s6+$0xFFFFFFF0];
	p1 =	slt.u32 s2, $0x3FC0;
	v30 =	vmul.f32 v30, v3;
	v29 =	vmul.f32 v29, v2  }
0x63: {  	v32 =	vld [tilespmem:s6+$0x0];
	v25 =	vmul.f32 v27, v25;
	v15 =	vadd.f32 v26, v15;
	v26 =	vmul.f32 v8, v1;
	v1 =	vmovc v3  }
0x64: {  	v34 =	vand.u32 $0xFFFF0000, v23;
	v3 =	vmovc v20;
	v33 =	vld [tilespmem:s6+$0xFFFFFFE0];
	v8 =	vadd.f32 v21, v30;
	v21 =	vadd.f32 v22, v29  }
0x65: {  	v20 =	vld.idx.msk [tilespmem:v11+s16+$0x0], $0xffff;
	v22 =	vadd.f32 v34, v25;
	v34 =	vmul.f32 v15, v5;
	v25 =	vmul.f32 v7, v4  }
0x66: {  	v24 =	vmul.f32 v18, v24;
	v35 =	vadd.f32 v26, v9;
	v15 =	vmul.f32 $4.095000000e+03, v31;
	v29 =	vld.idx.msk [tilespmem:v12+s16+$0x0], $0xffff;
	v7 =	vmovc v21  }
0x67: {  	v9 =	vmovc v13;
	v26 =	vmul.f32 $4.095000000e+03, v28;
	v28 =	vld.idx.msk [tilespmem:v19+s4+$0x0], $0xffff;
	v19 =	vmul.f32 v22, v27;
	v17 =	vadd.f32 v34, v17  }
0x68: {  	v5 =	vmovc v18;
	v4 =	vmovc v2;
	v22 =	vshll.u32 v23, $0x10;
	v30 =	vmul.f32 $4.095000000e+03, v32;
	v13 =	vtrunc.f32 v15;
	v31 =	vld.idx.msk [tilespmem:v14+s15+$0x0], $0xffff;
	[tilespmem:s29+$0xFFFFFFF0] =	vst v35  }
0x69: {  	v2 =	vmovc v16;
	v18 =	vmul.f32 $4.095000000e+03, v33;
	v32 =	vcvt.f32.s32 v13;
	v21 =	vld.idx.msk [tilespmem:v11+s15+$0x0], $0xffff;
	v13 =	vadd.f32 v22, v19;
	[tilespmem:s0+$0xFFFFFFE0] =	vst v17  }
0x6a: {  	v25 =	vadd.f32 v25, v6;
	v6 =	vmovc v10;
	v16 =	vtrunc.f32 v26;
	v23 =	vtrunc.f32 v30;
	v22 =	vld.idx.msk [tilespmem:v12+s15+$0x0], $0xffff  }
0x6b: {  	v10 =	vtrunc.f32 v18;
	v19 =	vshll.u32 v32, $0x2;
	v17 =	vld.idx.msk [tilespmem:v14+s4+$0x0], $0xffff;
	v14 =	vmul.f32 v13, v27  }
0x6c: {  	v16 =	vcvt.f32.s32 v16;
	v27 =	vcvt.f32.s32 v10;
	v19 =	vor.u32 v0, v19;
	v13 =	vld.idx.msk [tilespmem:v11+s4+$0x0], $0xffff;
	[tilespmem:s29+$0x0] =	vst v25;
	s29 =	smov.u32 s0  }
0x6d: {  	v33 =	vmul.f32 v3, v20;
	v23 =	vcvt.f32.s32 v23;
	v10 =	vld.idx.msk [tilespmem:v12+s4+$0x0], $0xffff;
	v12 =	vadd.f32 v14, v28  }
0x6e: {  	v25 =	vshll.u32 v16, $0x2;
	s0 =	sadd.s32 $0x40, s0;
	v20 =	vcvt.s32.f32 v27;
	v11 =	vshll.u32 v27, $0x2  }
0x6f: {  	v14 =	vor.u32 v0, v11;
	v11 =	vor.u32 v0, v25;
	v25 =	vshll.u32 v23, $0x2;
	[tilespmem:s0+$0x10] =	vst v12  }
.Ltmp2:
0x70: {  	v16 =	vcvt.s32.f32 v16;
	v23 =	vcvt.s32.f32 v23;
	v12 =	vor.u32 v0, v25;
	(pc) =	sbr.rel @p1 .LBB2_3-.Ltmp2, $4  }
0x71: {  	v29 =	vmul.f32 v2, v29;
	v28 =	vand.u32 $0xFFFF0000, v31;
	v18 =	vsub.f32 v18, v20;
	v25 =	vld.idx.msk [tilespmem:v19+s16+$0x0], $0xffff  }
0x72: {  	v20 =	vsub.f32 v26, v16;
	v16 =	vsub.f32 v30, v23;
	v30 =	vand.u32 $0xFFFF0000, v21;
	v23 =	vld.idx.msk [tilespmem:v19+s15+$0x0], $0xffff  }
0x73: {  	v27 =	vcvt.s32.f32 v32;
	v28 =	vadd.f32 v28, v24;
	v32 =	vand.u32 $0xFFFF0000, v22  }
0x74: {  	s6 =	sadd.s32 $0x40, s6;
	v26 =	vshll.u32 v31, $0x10;
	v29 =	vadd.f32 v32, v29;
	v30 =	vadd.f32 v30, v33;
	v24 =	vld.idx.msk [tilespmem:v14+s16+$0x0], $0xffff  }
0x75: {  	_ =	sdelay $0x3  }
0x76: {  	v39 =	vld.idx.msk [tilespmem:v11+s16+$0x0], $0xffff  }
0x77: {  	v31 =	vld.idx.msk [tilespmem:v14+s15+$0x0], $0xffff  }
0x78: {  	v15 =	vsub.f32 v15, v27;
	v38 =	vmul.f32 v28, v5;
	v41 =	vld.idx.msk [tilespmem:v12+s16+$0x0], $0xffff;
	v1 =	vmul.f32 v8, v1  }
0x79: {  	v21 =	vshll.u32 v21, $0x10;
	v43 =	vld.idx.msk [tilespmem:v11+s15+$0x0], $0xffff;
	v4 =	vmul.f32 v7, v4;
	v30 =	vmul.f32 v30, v3  }
0x7a: {  	v42 =	vshll.u32 v22, $0x10;
	v45 =	vld.idx.msk [tilespmem:v12+s15+$0x0], $0xffff;
	v29 =	vmul.f32 v29, v2;
	v25 =	vmul.f32 v15, v25  }
0x7b: {  	v26 =	vadd.f32 v26, v38;
	v40 =	vand.u32 $0xFFFF0000, v23;
	v1 =	vadd.f32 v1, v9  }
0x7c: {  	v47 =	vshll.u32 v23, $0x10;
	v4 =	vadd.f32 v4, v6;
	v21 =	vadd.f32 v21, v30  }
0x7d: {  	v8 =	vadd.f32 v42, v29;
	v25 =	vadd.f32 v40, v25;
	v44 =	vmul.f32 v26, v5  }
0x7e: {  	v46 =	vmul.f32 v18, v24;
	v50 =	vand.u32 $0xFFFF0000, v31;
	v51 =	vmul.f32 v20, v39  }
0x7f: {  	v52 =	vmul.f32 v16, v41;
	v53 =	vand.u32 $0xFFFF0000, v43;
	v54 =	vand.u32 $0xFFFF0000, v45  }
0x80: {  	v56 =	vshll.u32 v31, $0x10;
	v58 =	vshll.u32 v43, $0x10;
	v7 =	vadd.f32 v50, v46  }
0x81: {  	v48 =	vld.idx.msk [tilespmem:v19+s4+$0x0], $0xffff;
	v25 =	vmul.f32 v25, v15;
	v5 =	vadd.f32 v44, v17;
	v17 =	vadd.f32 v53, v51  }
0x82: {  	v55 =	vld.idx.msk [tilespmem:v14+s4+$0x0], $0xffff;
	v3 =	vmul.f32 v21, v3;
	v19 =	vadd.f32 v54, v52;
	v7 =	vmul.f32 v7, v18  }
0x83: {  	v60 =	vld.idx.msk [tilespmem:v12+s4+$0x0], $0xffff;
	[tilespmem:s29+$0xFFFFFFF0] =	vst v1;
	v61 =	vshll.u32 v45, $0x10;
	v49 =	vadd.f32 v47, v25;
	v57 =	vmul.f32 v17, v20  }
0x84: {  	v1 =	vld.idx.msk [tilespmem:v11+s4+$0x0], $0xffff;
	v2 =	vmul.f32 v8, v2;
	v59 =	vmul.f32 v19, v16;
	v7 =	vadd.f32 v56, v7  }
0x85: {  	[tilespmem:s29+$0x0] =	vst v4;
	v3 =	vadd.f32 v3, v13;
	v15 =	vmul.f32 v49, v15;
	v11 =	vadd.f32 v58, v57  }
0x86: {  	v2 =	vadd.f32 v2, v10;
	[tilespmem:s0+$0xFFFFFFE0] =	vst v5;
	v62 =	vadd.f32 v61, v59;
	v7 =	vmul.f32 v7, v18  }
0x87: {  	[tilespmem:s0+$0xFFFFFFF0] =	vst v3;
	v9 =	vadd.f32 v15, v48;
	v63 =	vmul.f32 v11, v20  }
0x88: {  	s2 =	sadd.s32 $0x40, s0;
	p1 =	sne.s32 s26, $0xF;
	[tilespmem:s0+$0x0] =	vst v2;
	v3 =	vmul.f32 v62, v16;
	v6 =	vadd.f32 v7, v55  }
.Ltmp3:
0x89: {  	[tilespmem:s2+$0x10] =	vst v9;
	v1 =	vadd.f32 v63, v1;
	(pc) =	sbr.rel @p1 .LBB2_6-.Ltmp3, $4  }
0x8a: {  	v2 =	vadd.f32 v3, v60;
	[tilespmem:s2+$0xFFFFFFE0] =	vst v6  }
0x8b: {  	s29 =	sshrl.u32 s30, $0x3;
	[tilespmem:s2+$0xFFFFFFF0] =	vst v1  }
0x8c: {  	s31 =	sadd.s32 s3, s29;
	[tilespmem:s2+$0x0] =	vst v2  }
0x8d: {  	[hbm4b:s31+s4] =	stream.linear.scatter [tilespmem:s20], [sflag:$0x3], $0x4000, $0x38;
	[tilespmem:$0x1C000] =	vst v63  }
.Ltmp4:
0x8e: {  	(pc) =	sbr.rel .LBB2_7-.Ltmp4, $4  }
0x8f: {  	_ = 	snop  }
0x90: {  	_ =	swait.ge [sflag:s21], $0x4000  }
0x91: {  	[sflag:s21] =	ssyncset.done $0x0  }
0x92: {  	[sflag:s21] =	ssyncadd.s32 $0xFFFFC000  }
.LBB2_6:
0x93: {  	s0 =	sadd.s32 s28, s11  }
0x94: {  	s0 =	sshrl.u32 s0, $0x3  }
.Ltmp5:
0x95: {  	s0 =	sadd.s32 s1, s0;
	(pc) =	sbr.rel @p0 .LBB2_8-.Ltmp5, $4  }
0x96: {  	[tilespmem:s17], [sflag:$0x1] =	stream.linear.gather [hbm4b:s0+s4], $0x4000, $0x38;
	[tilespmem:$0x1C000] =	vst v63  }
0x97: {  	_ =	swait.ge [sflag:s21], $0x4000  }
0x98: {  	[sflag:s21] =	ssyncset.done $0x0  }
0x99: {  	[sflag:s21] =	ssyncadd.s32 $0xFFFFC000  }
.LBB2_7:
0x9a: {  	_ =	swait.ge [sflag:s22], $0x4000  }
0x9b: {  	[sflag:s22] =	ssyncset.done $0x0  }
0x9c: {  	[sflag:s22] =	ssyncadd.s32 $0xFFFFC000  }
.LBB2_8:
0x9d: {  	s30 =	simm.s32 $0x0  }
0x9e: {  	v1 =	vld [tilespmem:s30+$0x10030];
	_ =	sdelay $0x3  }
0x9f: {  	v5 =	vld [tilespmem:s30+$0x10010]  }
0xa0: {  	v2 =	vld [tilespmem:s30+$0x10000];
	v1 =	vmul.f32 $4.095000000e+03, v1;
	_ =	sdelay $0x1  }
0xa1: {  	v3 =	vtrunc.f32 v1  }
0xa2: {  	v3 =	vcvt.f32.s32 v3  }
0xa3: {  	v7 =	vld [tilespmem:s30+$0x10020];
	v5 =	vmul.f32 $4.095000000e+03, v5  }
0xa4: {  	v2 =	vmul.f32 $4.095000000e+03, v2;
	v6 =	vshll.u32 v3, $0x2  }
0xa5: {  	v10 =	vtrunc.f32 v5;
	v6 =	vor.u32 v0, v6  }
0xa6: {  	v4 =	vtrunc.f32 v2;
	v10 =	vcvt.f32.s32 v10  }
0xa7: {  	s31 =	simm.s32 $0x40;
	v4 =	vcvt.f32.s32 v4  }
0xa8: {  	v14 =	vld [tilespmem:s31+$0x10030];
	v7 =	vmul.f32 $4.095000000e+03, v7;
	v15 =	vshll.u32 v10, $0x2  }
0xa9: {  	v8 =	vshll.u32 v4, $0x2;
	v3 =	vcvt.s32.f32 v3;
	v17 =	vor.u32 v0, v15;
	v15 =	vld [tilespmem:s31+$0x10010]  }
0xaa: {  	v13 =	vtrunc.f32 v7;
	v8 =	vor.u32 v0, v8;
	v9 =	vld.idx.msk [tilespmem:v6+s16+$0x0], $0xffff  }
0xab: {  	v13 =	vcvt.f32.s32 v13;
	v3 =	vsub.f32 v1, v3;
	v1 =	vcvt.s32.f32 v4;
	v11 =	vld.idx.msk [tilespmem:v6+s15+$0x0], $0xffff  }
0xac: {  	v16 =	vld [tilespmem:s31+$0x10000]  }
0xad: {  	v4 =	vshll.u32 v13, $0x2;
	v13 =	vcvt.s32.f32 v13;
	v18 =	vsub.f32 v2, v1;
	v2 =	vld [tilespmem:s31+$0x10020]  }
0xae: {  	v19 =	vor.u32 v0, v4  }
0xaf: {  	v4 =	vsub.f32 v7, v13;
	v12 =	vld.idx.msk [tilespmem:v8+s16+$0x0], $0xffff;
	v13 =	vmul.f32 $4.095000000e+03, v15;
	v9 =	vmul.f32 v3, v9  }
0xb0: {  	v10 =	vcvt.s32.f32 v10;
	v1 =	vand.u32 $0xFFFF0000, v11  }
0xb1: {  	v14 =	vmul.f32 $4.095000000e+03, v14;
	v15 =	vtrunc.f32 v13;
	v9 =	vadd.f32 v1, v9  }
0xb2: {  	v2 =	vmul.f32 $4.095000000e+03, v2;
	v1 =	vsub.f32 v5, v10;
	v5 =	vmul.f32 $4.095000000e+03, v16  }
0xb3: {  	v7 =	vmul.f32 v9, v3;
	v9 =	vtrunc.f32 v14  }
0xb4: {  	v11 =	vshll.u32 v11, $0x10;
	v10 =	vmul.f32 v18, v12;
	v12 =	vld.idx.msk [tilespmem:v17+s16+$0x0], $0xffff;
	v9 =	vcvt.f32.s32 v9  }
0xb5: {  	v6 =	vld.idx.msk [tilespmem:v6+s4+$0x0], $0xffff;
	v15 =	vcvt.f32.s32 v15;
	v7 =	vadd.f32 v11, v7;
	v11 =	vtrunc.f32 v5  }
0xb6: {  	v22 =	vld.idx.msk [tilespmem:v19+s16+$0x0], $0xffff;
	v21 =	vtrunc.f32 v2;
	v16 =	vshll.u32 v9, $0x2;
	v11 =	vcvt.f32.s32 v11  }
0xb7: {  	v20 =	vld.idx.msk [tilespmem:v8+s15+$0x0], $0xffff;
	v24 =	vshll.u32 v15, $0x2;
	v9 =	vcvt.s32.f32 v9;
	v16 =	vor.u32 v0, v16  }
0xb8: {  	v23 =	vld.idx.msk [tilespmem:v17+s15+$0x0], $0xffff;
	v3 =	vmul.f32 v7, v3;
	v7 =	vcvt.f32.s32 v21;
	v21 =	vshll.u32 v11, $0x2  }
0xb9: {  	v12 =	vmul.f32 v1, v12;
	v14 =	vsub.f32 v14, v9;
	v26 =	vor.u32 v0, v21  }
0xba: {  	s0 =	simm.s32 $0x80;
	v21 =	vld.idx.msk [tilespmem:v19+s15+$0x0], $0xffff;
	v27 =	vadd.f32 v3, v6;
	v3 =	vcvt.s32.f32 v11;
	v11 =	vcvt.s32.f32 v15  }
0xbb: {  	v25 =	vld [tilespmem:s0+$0x10030];
	v6 =	vshll.u32 v7, $0x2;
	v7 =	vcvt.s32.f32 v7;
	v15 =	vmul.f32 v4, v22  }
0xbc: {  	v28 =	vor.u32 v0, v6;
	v5 =	vsub.f32 v5, v3;
	v3 =	vand.u32 $0xFFFF0000, v20;
	v6 =	vld.idx.msk [tilespmem:v16+s16+$0x0], $0xffff  }
0xbd: {  	v2 =	vsub.f32 v2, v7;
	v7 =	vand.u32 $0xFFFF0000, v23;
	v22 =	vld.idx.msk [tilespmem:v16+s15+$0x0], $0xffff;
	v10 =	vadd.f32 v3, v10  }
0xbe: {  	v3 =	vsub.f32 v13, v11;
	v7 =	vadd.f32 v7, v12;
	v11 =	vld.idx.msk [tilespmem:v26+s16+$0x0], $0xffff  }
0xbf: {  	v13 =	vand.u32 $0xFFFF0000, v21;
	v9 =	vmul.f32 v10, v18;
	v10 =	vshll.u32 v20, $0x10;
	v20 =	vld [tilespmem:s0+$0x10010]  }
0xc0: {  	v24 =	vor.u32 v0, v24;
	v7 =	vmul.f32 v7, v1;
	v12 =	vadd.f32 v13, v15;
	v13 =	vld [tilespmem:s0+$0x10000]  }
0xc1: {  	v15 =	vshll.u32 v23, $0x10;
	v9 =	vadd.f32 v10, v9;
	v10 =	vshll.u32 v21, $0x10;
	v21 =	vld [tilespmem:s0+$0x10020]  }
0xc2: {  	v29 =	vld.idx.msk [tilespmem:v8+s4+$0x0], $0xffff;
	v8 =	vadd.f32 v15, v7;
	v15 =	vmul.f32 $4.095000000e+03, v25;
	v6 =	vmul.f32 v14, v6  }
0xc3: {  	v23 =	vand.u32 $0xFFFF0000, v22;
	v12 =	vmul.f32 v12, v4;
	v18 =	vmul.f32 v9, v18  }
0xc4: {  	v9 =	vld.idx.msk [tilespmem:v17+s4+$0x0], $0xffff;
	v6 =	vadd.f32 v23, v6;
	v31 =	vmul.f32 v5, v11;
	v20 =	vmul.f32 $4.095000000e+03, v20  }
0xc5: {  	v7 =	vadd.f32 v10, v12;
	v10 =	vld.idx.msk [tilespmem:v24+s16+$0x0], $0xffff;
	v12 =	vmul.f32 $4.095000000e+03, v13;
	v13 =	vtrunc.f32 v15  }
0xc6: {  	v23 =	vld.idx.msk [tilespmem:v26+s15+$0x0], $0xffff;
	v6 =	vmul.f32 v6, v14;
	v30 =	vmul.f32 $4.095000000e+03, v21  }
0xc7: {  	v11 =	vld.idx.msk [tilespmem:v16+s4+$0x0], $0xffff;
	v16 =	vshll.u32 v22, $0x10;
	v32 =	vcvt.f32.s32 v13;
	v17 =	vtrunc.f32 v20  }
0xc8: {  	v18 =	vadd.f32 v18, v29;
	v29 =	vld.idx.msk [tilespmem:v28+s16+$0x0], $0xffff;
	v33 =	vcvt.f32.s32 v17;
	v13 =	vadd.f32 v16, v6  }
0xc9: {  	v6 =	vld.idx.msk [tilespmem:v19+s4+$0x0], $0xffff;
	v16 =	vtrunc.f32 v12;
	v19 =	vtrunc.f32 v30;
	v21 =	vshll.u32 v32, $0x2  }
0xca: {  	v22 =	vld.idx.msk [tilespmem:v24+s15+$0x0], $0xffff;
	v17 =	vor.u32 v0, v21;
	v13 =	vmul.f32 v13, v14;
	v14 =	vcvt.f32.s32 v16  }
0xcb: {  	v34 =	vcvt.f32.s32 v19;
	v25 =	vmul.f32 v3, v10;
	v21 =	vld.idx.msk [tilespmem:v28+s15+$0x0], $0xffff;
	v63 =	vand.u32 $0xFFFF0000, v23  }
0xcc: {  	v16 =	vld.idx.msk [tilespmem:v26+s4+$0x0], $0xffff;
	v26 =	vcvt.s32.f32 v33;
	v35 =	vadd.f32 v13, v11;
	v11 =	vshll.u32 v14, $0x2  }
0xcd: {  	[tilespmem:s30+$0x18030] =	vst v27;
	v10 =	vcvt.s32.f32 v14;
	v13 =	vshll.u32 v33, $0x2;
	v14 =	vor.u32 v0, v11  }
0xce: {  	v27 =	vmul.f32 v2, v29;
	v29 =	vadd.f32 v63, v31;
	v11 =	vor.u32 v0, v13;
	v13 =	vld.idx.msk [tilespmem:v24+s4+$0x0], $0xffff  }
0xcf: {  	v20 =	vsub.f32 v20, v26;
	v24 =	vcvt.s32.f32 v34;
	v19 =	vsub.f32 v12, v10;
	v10 =	vld.idx.msk [tilespmem:v28+s4+$0x0], $0xffff  }
0xd0: {  	[tilespmem:s30+$0x18000] =	vst v18;
	v12 =	vshll.u32 v34, $0x2;
	v26 =	vld.idx.msk [tilespmem:v17+s16+$0x0], $0xffff;
	v28 =	vand.u32 $0xFFFF0000, v22;
	v31 =	vand.u32 $0xFFFF0000, v21  }
0xd1: {  	s2 =	simm.s32 $0x80;
	s6 =	simm.s32 $0x300;
	[tilespmem:s31+$0x18030] =	vst v35;
	v12 =	vor.u32 v0, v12;
	v18 =	vsub.f32 v30, v24;
	v24 =	vld.idx.msk [tilespmem:v17+s15+$0x0], $0xffff;
	v30 =	vcvt.s32.f32 v32  }
.LBB2_9:
0xd2: {  	s7 =	sshra.s32 s6, $0x2;
	s2 =	sadd.s32 $0x40, s2;
	v32 =	vld.idx.msk [tilespmem:v14+s16+$0x0], $0xffff;
	v23 =	vshll.u32 v23, $0x10;
	v25 =	vadd.f32 v28, v25;
	v27 =	vadd.f32 v31, v27  }
0xd3: {  	v22 =	vshll.u32 v22, $0x10;
	v28 =	vld [tilespmem:s7+$0x10030];
	p0 =	slt.u32 s2, $0x3FC0;
	v30 =	vsub.f32 v15, v30;
	v15 =	vmul.f32 v29, v5  }
0xd4: {  	v21 =	vshll.u32 v21, $0x10;
	v29 =	vld [tilespmem:s7+$0x10000];
	v25 =	vmul.f32 v25, v3;
	v27 =	vmul.f32 v27, v2  }
0xd5: {  	v31 =	vld [tilespmem:s7+$0x10010];
	v26 =	vmul.f32 v30, v26;
	v15 =	vadd.f32 v23, v15;
	v23 =	vmul.f32 v8, v1;
	v1 =	vmovc v3  }
0xd6: {  	v34 =	vand.u32 $0xFFFF0000, v24;
	v3 =	vmovc v20;
	v33 =	vld [tilespmem:s7+$0x10020];
	v8 =	vadd.f32 v22, v25;
	v21 =	vadd.f32 v21, v27  }
0xd7: {  	v25 =	vmul.f32 v7, v4;
	v20 =	vld.idx.msk [tilespmem:v11+s16+$0x0], $0xffff;
	v22 =	vadd.f32 v34, v26;
	v34 =	vmul.f32 v15, v5  }
0xd8: {  	v32 =	vmul.f32 v19, v32;
	v35 =	vadd.f32 v23, v9;
	v15 =	vmul.f32 $4.095000000e+03, v28;
	v27 =	vld.idx.msk [tilespmem:v12+s16+$0x0], $0xffff;
	v7 =	vmovc v21  }
0xd9: {  	v9 =	vmovc v13;
	v26 =	vmul.f32 $4.095000000e+03, v29;
	v28 =	vld.idx.msk [tilespmem:v17+s4+$0x0], $0xffff;
	v17 =	vmul.f32 v22, v30;
	v16 =	vadd.f32 v34, v16  }
0xda: {  	v4 =	vmovc v2;
	v5 =	vmovc v19;
	v21 =	vshll.u32 v24, $0x10;
	v29 =	vmul.f32 $4.095000000e+03, v31;
	v13 =	vtrunc.f32 v15;
	v23 =	vld.idx.msk [tilespmem:v14+s15+$0x0], $0xffff;
	[tilespmem:s30+$0x18010] =	vst v35  }
0xdb: {  	v2 =	vmovc v18;
	v24 =	vmul.f32 $4.095000000e+03, v33;
	v31 =	vcvt.f32.s32 v13;
	v22 =	vld.idx.msk [tilespmem:v11+s15+$0x0], $0xffff;
	v13 =	vadd.f32 v21, v17;
	[tilespmem:s31+$0x18000] =	vst v16  }
0xdc: {  	v19 =	vadd.f32 v25, v6;
	v6 =	vmovc v10;
	v17 =	vtrunc.f32 v26;
	v18 =	vtrunc.f32 v29;
	v21 =	vld.idx.msk [tilespmem:v12+s15+$0x0], $0xffff  }
0xdd: {  	v10 =	vtrunc.f32 v24;
	v25 =	vshll.u32 v31, $0x2;
	v16 =	vld.idx.msk [tilespmem:v14+s4+$0x0], $0xffff;
	v14 =	vmul.f32 v13, v30  }
0xde: {  	v30 =	vcvt.f32.s32 v17;
	v18 =	vcvt.f32.s32 v18;
	v17 =	vor.u32 v0, v25;
	v13 =	vld.idx.msk [tilespmem:v11+s4+$0x0], $0xffff;
	[tilespmem:s30+$0x18020] =	vst v19;
	s30 =	smov.u32 s31;
	s31 =	smov.u32 s0;
	s0 =	smov.u32 s7  }
0xdf: {  	v19 =	vcvt.f32.s32 v10;
	v25 =	vmul.f32 v3, v20;
	v10 =	vld.idx.msk [tilespmem:v12+s4+$0x0], $0xffff;
	v12 =	vadd.f32 v14, v28  }
0xe0: {  	v20 =	vcvt.s32.f32 v30;
	v11 =	vshll.u32 v30, $0x2;
	v28 =	vshll.u32 v18, $0x2  }
.Ltmp6:
0xe1: {  	v14 =	vor.u32 v0, v11;
	v11 =	vor.u32 v0, v28;
	v28 =	vshll.u32 v19, $0x2;
	[tilespmem:s31+$0x18030] =	vst v12;
	(pc) =	sbr.rel @p0 .LBB2_9-.Ltmp6, $4  }
0xe2: {  	v18 =	vcvt.s32.f32 v18;
	v30 =	vcvt.s32.f32 v19;
	v12 =	vor.u32 v0, v28  }
0xe3: {  	v27 =	vmul.f32 v2, v27;
	v33 =	vand.u32 $0xFFFF0000, v23;
	v19 =	vsub.f32 v26, v20;
	v26 =	vld.idx.msk [tilespmem:v17+s16+$0x0], $0xffff  }
0xe4: {  	v20 =	vsub.f32 v29, v18;
	v28 =	vand.u32 $0xFFFF0000, v22;
	v18 =	vsub.f32 v24, v30;
	v24 =	vld.idx.msk [tilespmem:v17+s15+$0x0], $0xffff  }
0xe5: {  	s6 =	sadd.s32 $0x100, s6;
	v29 =	vadd.f32 v33, v32;
	v30 =	vcvt.s32.f32 v31;
	v31 =	vand.u32 $0xFFFF0000, v21  }
0xe6: {  	_ =	sdelay $0x3  }
0xe7: {  	v36 =	vld.idx.msk [tilespmem:v14+s16+$0x0], $0xffff  }
0xe8: {  	v38 =	vld.idx.msk [tilespmem:v11+s16+$0x0], $0xffff  }
0xe9: {  	v23 =	vshll.u32 v23, $0x10;
	v25 =	vadd.f32 v28, v25;
	v27 =	vadd.f32 v31, v27;
	v32 =	vld.idx.msk [tilespmem:v14+s15+$0x0], $0xffff  }
0xea: {  	v22 =	vshll.u32 v22, $0x10;
	v40 =	vld.idx.msk [tilespmem:v12+s16+$0x0], $0xffff;
	v21 =	vshll.u32 v21, $0x10;
	v1 =	vmul.f32 v8, v1  }
0xeb: {  	v42 =	vld.idx.msk [tilespmem:v11+s15+$0x0], $0xffff;
	v4 =	vmul.f32 v7, v4;
	v15 =	vsub.f32 v15, v30;
	v37 =	vmul.f32 v29, v5  }
0xec: {  	v45 =	vld.idx.msk [tilespmem:v12+s15+$0x0], $0xffff;
	v25 =	vmul.f32 v25, v3;
	v27 =	vmul.f32 v27, v2;
	v1 =	vadd.f32 v1, v9  }
0xed: {  	v4 =	vadd.f32 v4, v6;
	v26 =	vmul.f32 v15, v26;
	v23 =	vadd.f32 v23, v37  }
0xee: {  	v39 =	vand.u32 $0xFFFF0000, v24;
	v47 =	vshll.u32 v24, $0x10;
	v41 =	vadd.f32 v22, v25  }
0xef: {  	v21 =	vadd.f32 v21, v27;
	v26 =	vadd.f32 v39, v26;
	v43 =	vmul.f32 v23, v5  }
0xf0: {  	v46 =	vmul.f32 v19, v36;
	v50 =	vand.u32 $0xFFFF0000, v32;
	v51 =	vmul.f32 v20, v38  }
0xf1: {  	v52 =	vmul.f32 v18, v40;
	v53 =	vand.u32 $0xFFFF0000, v42;
	v54 =	vand.u32 $0xFFFF0000, v45  }
0xf2: {  	v48 =	vld.idx.msk [tilespmem:v17+s4+$0x0], $0xffff;
	v56 =	vshll.u32 v32, $0x10;
	v58 =	vshll.u32 v42, $0x10;
	v7 =	vadd.f32 v50, v46  }
0xf3: {  	v55 =	vld.idx.msk [tilespmem:v14+s4+$0x0], $0xffff;
	v44 =	vmul.f32 v26, v15;
	v5 =	vadd.f32 v43, v16;
	v16 =	vadd.f32 v53, v51  }
0xf4: {  	v60 =	vld.idx.msk [tilespmem:v12+s4+$0x0], $0xffff;
	v61 =	vshll.u32 v45, $0x10;
	v17 =	vadd.f32 v54, v52;
	v7 =	vmul.f32 v7, v19  }
0xf5: {  	[tilespmem:s30+$0x18010] =	vst v1;
	v3 =	vmul.f32 v41, v3;
	v49 =	vadd.f32 v47, v44;
	v57 =	vmul.f32 v16, v20  }
0xf6: {  	v1 =	vld.idx.msk [tilespmem:v11+s4+$0x0], $0xffff;
	v2 =	vmul.f32 v21, v2;
	v59 =	vmul.f32 v17, v18;
	v7 =	vadd.f32 v56, v7  }
0xf7: {  	[tilespmem:s30+$0x18020] =	vst v4;
	v3 =	vadd.f32 v3, v13;
	v15 =	vmul.f32 v49, v15;
	v11 =	vadd.f32 v58, v57  }
0xf8: {  	v2 =	vadd.f32 v2, v10;
	[tilespmem:s31+$0x18000] =	vst v5;
	v62 =	vadd.f32 v61, v59;
	v7 =	vmul.f32 v7, v19  }
0xf9: {  	[tilespmem:s31+$0x18010] =	vst v3;
	v9 =	vadd.f32 v15, v48;
	v63 =	vmul.f32 v11, v20  }
0xfa: {  	p0 =	seq.s32 s26, $0xF;
	[tilespmem:s31+$0x18020] =	vst v2;
	v3 =	vmul.f32 v62, v18;
	v6 =	vadd.f32 v7, v55  }
.Ltmp7:
0xfb: {  	[tilespmem:s0+$0x18030] =	vst v9;
	v1 =	vadd.f32 v63, v1;
	(pc) =	sbr.rel @p0 .LBB2_12-.Ltmp7, $4  }
0xfc: {  	v2 =	vadd.f32 v3, v60;
	[tilespmem:s0+$0x18000] =	vst v6  }
0xfd: {  	s2 =	sadd.s32 s29, s3;
	[tilespmem:s0+$0x18010] =	vst v1  }
0xfe: {  	s31 =	sadd.s32 $0x800, s2;
	[tilespmem:s0+$0x18020] =	vst v2  }
0xff: {  	[hbm4b:s31+s4] =	stream.linear.scatter [tilespmem:s23], [sflag:$0x4], $0x4000, $0x38;
	[tilespmem:$0x1C000] =	vst v63  }
.Ltmp8:
0x100: {  	(pc) =	sbr.rel .LBB2_2-.Ltmp8, $4  }
0x101: {  	s0 =	sadd.s32 s28, s12  }
0x102: {  	s0 =	sshrl.u32 s0, $0x3  }
0x103: {  	s26 =	sadd.s32 $0x1, s26;
	s0 =	sadd.s32 s1, s0  }
0x104: {  	[tilespmem:s18], [sflag:$0x2] =	stream.linear.gather [hbm4b:s0+s4], $0x4000, $0x38;
	[tilespmem:$0x1C000] =	vst v63  }
.LBB2_13:
0x105: {  	_ =	sfence.sel $0x180000  }
0x106: {  	[bflag:$0x0] =	sbarrier.arrive $0xFFFF  }
0x107: {  	_ =	strace $0x90000047  }
0x108: {  	s0 =	stileid.u32;
	[bflag:$0x2] =	sbarrier.arrive $0xFFFF  }
0x109: {  	p0 =	sne.s32 s0, $0x0;
	s0 =	rddreg [dreg:$0x3]  }
0x10a: {  	s0 =	sadd.s32 @!p0 $0x100000, s0  }
0x10b: {  	[sflag:s0] =	ssyncadd.tile.s32 @!p0 $0x1;
	_ =	shalt  }
.Lfunc_end2:
_tile_overlayer_lowered:
.L_overlay_start_2:
0x10c: {  	(tag) =	ssettag $0x2  }
0x10d: {  	s0 =	rddreg [dreg:$0x0];
	s2 =	stileid.u32  }
0x10e: {  	s1 =	rddreg [dreg:$0x1];
	p0 =	sne.s32 s2, $0x0  }
0x10f: {  	s3 =	rddreg [dreg:$0x2];
	[bflag:$0x3] =	sbarrier.arrive $0xFFFF;
	s2 =	simm.s32 @!p0 $0x1C05  }
0x110: {  	[timem:s3], [sflag:s2] =	dma.local @!p0 [hbm:s0], s1  }
0x111: {  	s0 =	simm.s32 @!p0 $0x5  }
0x112: {  	_ =	swait.ge @!p0 [sflag:s0], s1  }
0x113: {  	s1 =	ssub.s32 @!p0 $0x0, s1;
	[sflag:s0] =	ssyncset.done @!p0 $0x0  }
0x114: {  	[sflag:s0] =	ssyncadd.s32 @!p0 s1  }
0x115: {  	[bflag:$0x3] =	sbarrier.arrive $0xFFFF  }
0x116: {  	_ =	shalt  }

</sc_bundles>
